<compile_context>
chip_gen: v7x
topology: tpu7x:2x2x1
jax: 0.10.2.dev20260603
libtpu: 0.0.44.dev20260713+nightly
codegen_flags: <defaults>
</compile_context>

<pallas_src>
import functools

import jax
import jax.numpy as jnp
from jax import lax
from jax.experimental import pallas as pl
from jax.experimental.pallas import tpu as pltpu
from jax.experimental.pallas import tpu_sc as plsc

_N = 50000
_E = 800000
_Y = 64
_NPAD = 50176
_EPT = _E // 16
_W = 10000
_NCH = _EPT // _W
_SUBG_ROWS = _NPAD // 128


def _sc_body(dst0, ev0, dst1, ev1, part,
             acc, idxb0, valb0, idxb1, valb1, sem):
    cid = lax.axis_index("c")
    sid = lax.axis_index("s")

    def run_layer(dst, ev):
        base = sid * _EPT
        cps = (pltpu.async_copy(dst.at[pl.ds(base, _W)], idxb0, sem),
               pltpu.async_copy(ev.at[pl.ds(base, _W)], valb0, sem))

        def zero_body(k, carry):
            acc[pl.ds(k * 16, 16)] = jnp.zeros((16,), jnp.float32)
            return carry
        lax.fori_loop(0, _NPAD // 16, zero_body, 0, unroll=8)

        bufs = ((idxb0, valb0), (idxb1, valb1))
        for j in range(_NCH):
            cps[0].wait()
            cps[1].wait()
            ib, vb = bufs[j % 2]
            if j + 1 < _NCH:
                nib, nvb = bufs[(j + 1) % 2]
                off = base + (j + 1) * _W
                cps = (pltpu.async_copy(dst.at[pl.ds(off, _W)], nib, sem),
                       pltpu.async_copy(ev.at[pl.ds(off, _W)], nvb, sem))

            def scat_body(k, carry):
                iv = ib[pl.ds(k * 16, 16)]
                vv = vb[pl.ds(k * 16, 16)]
                plsc.addupdate_scatter(acc, [iv], vv)
                return carry
            lax.fori_loop(0, _W // 16, scat_body, 0, unroll=5)

        wid = cid * 16 + sid
        pltpu.sync_copy(acc, part.at[pl.ds(wid * _NPAD, _NPAD)])

    @pl.when(cid == 0)
    def _():
        run_layer(dst0, ev0)

    @pl.when(cid == 1)
    def _():
        run_layer(dst1, ev1)


@functools.cache
def _make_sc_call():
    return functools.partial(
        pl.kernel,
        mesh=plsc.VectorSubcoreMesh(core_axis_name="c", subcore_axis_name="s"),
        compiler_params=pltpu.CompilerParams(needs_layout_passes=False),
        out_type=[
            jax.ShapeDtypeStruct((32 * _NPAD,), jnp.float32),
        ],
        scratch_types=[
            pltpu.VMEM((_NPAD,), jnp.float32),
            pltpu.VMEM((_W,), jnp.int32),
            pltpu.VMEM((_W,), jnp.float32),
            pltpu.VMEM((_W,), jnp.int32),
            pltpu.VMEM((_W,), jnp.float32),
            pltpu.SemaphoreType.DMA,
        ],
    )(_sc_body)


def _tc_body(s_ref, w_ref, p_ref, h1_ref, h2_ref, cp_ref, aux_ref,
             subg_ref, uv_ref, out_ref, q_ref, scale_ref):
    li = pl.program_id(0)

    w = w_ref[...]
    t = jnp.maximum(w[:, 0:1] + w[:, 1:2], 0.0)
    c = t / jnp.maximum(jnp.sqrt(jnp.sum(t * t)), 1e-12)
    d = lax.dot_general(p_ref[...], c, (((0,), (0,)), ((), ())),
                        precision=lax.Precision.HIGHEST,
                        preferred_element_type=jnp.float32)
    nd = jnp.sqrt(jnp.sum(d * d))

    p3 = jnp.reshape(s_ref[...], (16, _NPAD // 128, 128))
    s_row = jnp.reshape(jnp.sum(p3, axis=0), (1, _NPAD))
    scale_ref[pl.ds(li, 1), :] = (
        s_row / jnp.maximum(jnp.abs(s_row) * nd, 1e-12))
    out_ref[0] = d * scale_ref[pl.ds(li, 1), 0:_N]

    @pl.when(li == 1)
    def _():
        cw = _NPAD // 8
        ycol = lax.broadcasted_iota(jnp.int32, (_Y, 1), 0)

        def pbody(k, acc):
            iot = lax.broadcasted_iota(jnp.int32, (_Y, cw), 1) + k * cw
            cols = []
            for col in range(4):
                srow = scale_ref[pl.ds(col // 2, 1), pl.ds(k * cw, cw)]
                m = iot == uv_ref[:, col:col + 1]
                cols.append(jnp.sum(jnp.where(m, srow, 0.0), axis=1,
                                    keepdims=True))
            sv = subg_ref[0:1, pl.ds(k * cw, cw)]
            cols.append(jnp.sum(jnp.where(sv == ycol, 1.0, 0.0), axis=1,
                                keepdims=True))
            return acc + jnp.concatenate(cols, axis=1)
        picks = lax.fori_loop(0, 8, pbody, jnp.zeros((_Y, 5), jnp.float32))
        cnt = picks[:, 4:5]
        ys = cnt / jnp.maximum(cnt * nd, 1e-12)

        g = jnp.sum(d * cp_ref[...])
        d2 = d * d
        hv = lax.dot_general(h1_ref[...], d2, (((0,), (0,)), ((), ())),
                             precision=lax.Precision.HIGHEST,
                             preferred_element_type=jnp.float32)
        h2a = h2_ref[0:64, 0:1]
        pos = jnp.sum(jnp.maximum(hv, 0.0) * h2a)
        neg = jnp.sum(jnp.maximum(-hv, 0.0) * h2a)
        h2b = h2_ref[64:68, 0:1]
        h2bb = jnp.concatenate([h2b, h2b], axis=0)

        k0 = picks[:, 0:1] * picks[:, 1:2] * ys * g
        k1 = picks[:, 2:3] * picks[:, 3:4] * ys * g
        kq = (jnp.maximum(k0, 0.0) * pos + jnp.maximum(-k0, 0.0) * neg
              + jnp.maximum(k1, 0.0) * pos + jnp.maximum(-k1, 0.0) * neg)
        auxq = jnp.dot(aux_ref[...], h2bb,
                       precision=lax.Precision.HIGHEST,
                       preferred_element_type=jnp.float32)
        q_ref[...] = kq + auxq


_tc_call = pl.pallas_call(
    _tc_body,
    grid=(2, 1),
    in_specs=[
        pl.BlockSpec((16 * _NPAD // 128, 128), lambda l, i: (l, 0)),
        pl.BlockSpec((64, 2), lambda l, i: (0, 0)),
        pl.BlockSpec((64, 64), lambda l, i: (0, 0)),
        pl.BlockSpec((64, 64), lambda l, i: (0, 0)),
        pl.BlockSpec((68, 1), lambda l, i: (0, 0)),
        pl.BlockSpec((64, 1), lambda l, i: (0, 0)),
        pl.BlockSpec((_Y, 8), lambda l, i: (0, 0)),
        pl.BlockSpec((1, _NPAD), lambda l, i: (0, 0)),
        pl.BlockSpec((_Y, 4), lambda l, i: (0, 0)),
    ],
    out_specs=[
        pl.BlockSpec((1, 64, _N), lambda l, i: (l, 0, 0)),
        pl.BlockSpec((_Y, 1), lambda l, i: (0, 0)),
    ],
    out_shape=[
        jax.ShapeDtypeStruct((2, 64, _N), jnp.float32),
        jax.ShapeDtypeStruct((_Y, 1), jnp.float32),
    ],
    scratch_shapes=[pltpu.VMEM((2, _NPAD), jnp.float32)],
)


def kernel(edge_index0, edge_value0, edge_index1, edge_value1, subg_rows,
           action_cols, aux_input, w_n2l, p_node_conv, h1_weight, h2_weight,
           cross_product):
    ei0f = edge_index0.reshape(-1)
    ei1f = edge_index1.reshape(-1)
    (part,) = jax.tree.leaves(
        _make_sc_call()(ei0f, edge_value0, ei1f, edge_value1))
    s = part.reshape(32 * _NPAD // 128, 128)
    uv = jnp.stack([ei0f[action_cols], ei0f[action_cols + _E],
                    ei1f[action_cols], ei1f[action_cols + _E]],
                   axis=1)
    subg_p = jnp.concatenate(
        [subg_rows, jnp.full((_NPAD - _N,), _Y, subg_rows.dtype)]
    ).reshape(1, _NPAD)
    aux8 = aux_input.reshape(_Y, 8)
    cur_ml_t, q = _tc_call(s, w_n2l.T, p_node_conv, h1_weight, h2_weight,
                           cross_product, aux8, subg_p, uv)
    return (q, jnp.swapaxes(cur_ml_t, 1, 2))

# --- scband reference (transcript-rebuilt; emitter-appended) ---
"""Pipeline reference for scband-finder-net-841813590676 (READ-ONLY COPY).

The authoritative reference and input builder live on the scoring server;
editing this copy changes nothing except your own understanding.
"""

import jax, jax.numpy as jnp
import numpy as np

N = 50000
E = 800000
Y = 64
EMB = 64
REG = 64
AUX = 4


def _l2norm(x, axis):
    n = jnp.linalg.norm(x, axis=axis, keepdims=True)
    return x / jnp.maximum(n, 1e-12)


def setup_inputs(seed: int = 0) -> dict:
    key = jax.random.key(seed)
    ks = jax.random.split(key, 12)
    inp = {}
    inp['edge_index0'] = jax.random.randint(ks[0], (2, E), 0, N)
    inp['edge_value0'] = jax.random.uniform(ks[1], (E,), dtype=jnp.float32)
    inp['edge_index1'] = jax.random.randint(ks[2], (2, E), 0, N)
    inp['edge_value1'] = jax.random.uniform(ks[3], (E,), dtype=jnp.float32)
    inp['subg_rows'] = jax.random.randint(ks[4], (N,), 0, Y)
    inp['action_cols'] = jax.random.randint(ks[5], (Y,), 0, E)
    inp['aux_input'] = jax.random.normal(ks[6], (Y, 2, AUX), dtype=jnp.float32)
    # learned parameters (torch.fmod(normal(0, std), 2) initialization)
    inp['w_n2l'] = jnp.fmod(jax.random.normal(ks[7], (2, EMB), dtype=jnp.float32), 2.0)
    inp['p_node_conv'] = jnp.fmod(jax.random.normal(ks[8], (EMB, EMB), dtype=jnp.float32), 2.0)
    inp['h1_weight'] = jnp.fmod(jax.random.normal(ks[9], (EMB, REG), dtype=jnp.float32), 2.0)
    inp['h2_weight'] = jnp.fmod(jax.random.normal(ks[10], (REG + AUX, 1), dtype=jnp.float32), 2.0)
    inp['cross_product'] = jnp.fmod(jax.random.normal(ks[11], (EMB, 1), dtype=jnp.float32), 2.0)
    return inp


def reference(edge_index0, edge_value0, edge_index1, edge_value1, subg_rows,
              action_cols, aux_input, w_n2l, p_node_conv, h1_weight, h2_weight,
              cross_product):
    # node_attr == False -> node features are ones(N, 2)
    node_input = jnp.ones((N, 2), dtype=jnp.float32)
    y_node_input = jnp.ones((Y, 2), dtype=jnp.float32)
    cur = _l2norm(jax.nn.relu(node_input @ w_n2l), axis=1)
    y_cur = _l2norm(jax.nn.relu(y_node_input @ w_n2l), axis=1)
    # two-layer sparse message passing: spmm(n2nsum_param[l], cur) @ p_node_conv
    lin = []
    for ei, ev in ((edge_index0, edge_value0), (edge_index1, edge_value1)):
        msg = ev[:, None] * jnp.take(cur, ei[1], axis=0)
        pool = jax.ops.segment_sum(msg, ei[0], num_segments=N)
        lin.append(pool @ p_node_conv)
    # subgraph (virtual node) pooling: spmm(subgsum_param, cur) @ p_node_conv
    y_pool = jax.ops.segment_sum(cur, subg_rows, num_segments=Y)
    y_lin = y_pool @ p_node_conv
    cur_ml = _l2norm(jnp.stack([lin[0], lin[1]], axis=0), axis=2)
    y_ml = _l2norm(jnp.stack([y_lin, y_lin], axis=0), axis=2)
    q = jnp.zeros((Y, 1), dtype=jnp.float32)
    for l, ei in enumerate((edge_index0, edge_index1)):
        node_emb = cur_ml[l]
        y_potential = y_ml[l]
        # edge messages: elementwise product over edge endpoint embeddings
        edge_message = jnp.take(node_emb, ei[0], axis=0) * jnp.take(node_emb, ei[1], axis=0)
        # action_select spmm: one selected edge per sample, value 1
        action_embed = jnp.take(edge_message, action_cols, axis=0)
        temp = jnp.einsum('bi,bj->bij', action_embed, y_potential)
        embed_s_a = jnp.einsum('bij,jk->bik', temp, cross_product)[:, :, 0]
        hidden = jax.nn.relu(embed_s_a @ h1_weight)
        last_output = jnp.concatenate([hidden, aux_input[:, l, :]], axis=1)
        q = q + last_output @ h2_weight
    return (q, cur_ml)

if __name__ == "__main__":
    import jax
    _d = setup_inputs()
    print(jax.jit(kernel)(*tuple(_d.values())))

</pallas_src>

<mosaic_0001>
#map = affine_map<(d0, d1) -> (0)>
module attributes {stable_mosaic.version = 14 : i64} {
  func.func @_sc_body(%arg0: i32, %arg1: i32, %arg2: memref<1600000xi32, #tpu.memory_space<hbm>>, %arg3: memref<800000xf32, #tpu.memory_space<hbm>>, %arg4: memref<1600000xi32, #tpu.memory_space<hbm>>, %arg5: memref<800000xf32, #tpu.memory_space<hbm>>, %arg6: memref<1605632xf32, #tpu.memory_space<hbm>>, %arg7: memref<50176xf32, #tpu.memory_space<vmem>>, %arg8: memref<10000xi32, #tpu.memory_space<vmem>>, %arg9: memref<10000xf32, #tpu.memory_space<vmem>>, %arg10: memref<10000xi32, #tpu.memory_space<vmem>>, %arg11: memref<10000xf32, #tpu.memory_space<vmem>>, %arg12: memref<!tpu.dma_semaphore, #tpu.memory_space<semaphore_mem>>) attributes {dimension_semantics = [#tpu.dimension_semantics<core_parallel>, #tpu.dimension_semantics<subcore_parallel>], iteration_bounds = array<i64: 2, 16>, scalar_prefetch = 0 : i64, scratch_operands = 6 : i64, tpu.core_type = #tpu.core_type<sc_vector_subcore>, window_params = [{transform_indices = #map}, {transform_indices = #map}, {transform_indices = #map}, {transform_indices = #map}, {transform_indices = #map}]} {
    %eq3A = arith.constant 0 : i32
    %eq3A_0 = arith.cmpi eq, %arg0, %eq3A : i32
    %convert_element_type3A = arith.extui %eq3A_0 : i1 to i32
    %cond3A = arith.constant 0 : i32
    %cond3A_1 = arith.cmpi ne, %convert_element_type3A, %cond3A : i32
    scf.if %cond3A_1 {
      %mul3A = arith.constant 50000 : i32
      %mul3A_7 = arith.muli %arg1, %mul3A : i32
      %dma_start3A = tpu.memref_slice %arg2[%mul3A_7] : memref<1600000xi32, #tpu.memory_space<hbm>> -> memref<10000xi32, #tpu.memory_space<hbm>>
      %dma_start3A_8 = tpu.memref_slice %arg2[%mul3A_7] : memref<1600000xi32, #tpu.memory_space<hbm>> -> memref<10000xi32, #tpu.memory_space<hbm>>
      tpu.enqueue_dma source(%dma_start3A_8 : memref<10000xi32, #tpu.memory_space<hbm>>) target(%arg8 : memref<10000xi32, #tpu.memory_space<vmem>>) target_semaphore(%arg12 : memref<!tpu.dma_semaphore, #tpu.memory_space<semaphore_mem>>)
      %dma_start3A_9 = tpu.memref_slice %arg3[%mul3A_7] : memref<800000xf32, #tpu.memory_space<hbm>> -> memref<10000xf32, #tpu.memory_space<hbm>>
      %dma_start3A_10 = tpu.memref_slice %arg3[%mul3A_7] : memref<800000xf32, #tpu.memory_space<hbm>> -> memref<10000xf32, #tpu.memory_space<hbm>>
      tpu.enqueue_dma source(%dma_start3A_10 : memref<10000xf32, #tpu.memory_space<hbm>>) target(%arg9 : memref<10000xf32, #tpu.memory_space<vmem>>) target_semaphore(%arg12 : memref<!tpu.dma_semaphore, #tpu.memory_space<semaphore_mem>>)
      %scan3A = arith.constant 0 : i32
      %scan3A_11 = arith.constant 0 : i32
      %scan3A_12 = arith.constant 3136 : i32
      %scan3A_13 = arith.addi %scan3A_11, %scan3A_12 : i32
      %scan3A_14 = arith.constant 8 : i32
      scf.for %scan3A_93 = %scan3A_11 to %scan3A_13 step %scan3A_14  : i32 {
        %broadcast_in_dim3A = arith.constant 0.000000e+00 : f32
        %broadcast_in_dim3A_94 = vector.broadcast %broadcast_in_dim3A : f32 to vector<16xf32>
        %mul3A_95 = arith.constant 16 : i32
        %mul3A_96 = arith.muli %scan3A_93, %mul3A_95 : i32
        %swap3A = arith.index_cast %mul3A_96 : i32 to index
        %swap3A_97 = tpu.vector_load %arg7[%swap3A] {strides = array<i32>} : memref<50176xf32, #tpu.memory_space<vmem>>, vector<16xf32>,
        tpu.vector_store %arg7[%swap3A], %broadcast_in_dim3A_94 {strides = array<i32>} : memref<50176xf32, #tpu.memory_space<vmem>>, vector<16xf32>,
        %scan3A_98 = arith.constant 1 : i32
        %scan3A_99 = arith.addi %scan3A_93, %scan3A_98 : i32
        %broadcast_in_dim3A_100 = arith.constant 0.000000e+00 : f32
        %broadcast_in_dim3A_101 = vector.broadcast %broadcast_in_dim3A_100 : f32 to vector<16xf32>
        %mul3A_102 = arith.constant 16 : i32
        %mul3A_103 = arith.muli %scan3A_99, %mul3A_102 : i32
        %swap3A_104 = arith.index_cast %mul3A_103 : i32 to index
        %swap3A_105 = tpu.vector_load %arg7[%swap3A_104] {strides = array<i32>} : memref<50176xf32, #tpu.memory_space<vmem>>, vector<16xf32>,
        tpu.vector_store %arg7[%swap3A_104], %broadcast_in_dim3A_101 {strides = array<i32>} : memref<50176xf32, #tpu.memory_space<vmem>>, vector<16xf32>,
        %scan3A_106 = arith.constant 2 : i32
        %scan3A_107 = arith.addi %scan3A_93, %scan3A_106 : i32
        %broadcast_in_dim3A_108 = arith.constant 0.000000e+00 : f32
        %broadcast_in_dim3A_109 = vector.broadcast %broadcast_in_dim3A_108 : f32 to vector<16xf32>
        %mul3A_110 = arith.constant 16 : i32
        %mul3A_111 = arith.muli %scan3A_107, %mul3A_110 : i32
        %swap3A_112 = arith.index_cast %mul3A_111 : i32 to index
        %swap3A_113 = tpu.vector_load %arg7[%swap3A_112] {strides = array<i32>} : memref<50176xf32, #tpu.memory_space<vmem>>, vector<16xf32>,
        tpu.vector_store %arg7[%swap3A_112], %broadcast_in_dim3A_109 {strides = array<i32>} : memref<50176xf32, #tpu.memory_space<vmem>>, vector<16xf32>,
        %scan3A_114 = arith.constant 3 : i32
        %scan3A_115 = arith.addi %scan3A_93, %scan3A_114 : i32
        %broadcast_in_dim3A_116 = arith.constant 0.000000e+00 : f32
        %broadcast_in_dim3A_117 = vector.broadcast %broadcast_in_dim3A_116 : f32 to vector<16xf32>
        %mul3A_118 = arith.constant 16 : i32
        %mul3A_119 = arith.muli %scan3A_115, %mul3A_118 : i32
        %swap3A_120 = arith.index_cast %mul3A_119 : i32 to index
        %swap3A_121 = tpu.vector_load %arg7[%swap3A_120] {strides = array<i32>} : memref<50176xf32, #tpu.memory_space<vmem>>, vector<16xf32>,
        tpu.vector_store %arg7[%swap3A_120], %broadcast_in_dim3A_117 {strides = array<i32>} : memref<50176xf32, #tpu.memory_space<vmem>>, vector<16xf32>,
        %scan3A_122 = arith.constant 4 : i32
        %scan3A_123 = arith.addi %scan3A_93, %scan3A_122 : i32
        %broadcast_in_dim3A_124 = arith.constant 0.000000e+00 : f32
        %broadcast_in_dim3A_125 = vector.broadcast %broadcast_in_dim3A_124 : f32 to vector<16xf32>
        %mul3A_126 = arith.constant 16 : i32
        %mul3A_127 = arith.muli %scan3A_123, %mul3A_126 : i32
        %swap3A_128 = arith.index_cast %mul3A_127 : i32 to index
        %swap3A_129 = tpu.vector_load %arg7[%swap3A_128] {strides = array<i32>} : memref<50176xf32, #tpu.memory_space<vmem>>, vector<16xf32>,
        tpu.vector_store %arg7[%swap3A_128], %broadcast_in_dim3A_125 {strides = array<i32>} : memref<50176xf32, #tpu.memory_space<vmem>>, vector<16xf32>,
        %scan3A_130 = arith.constant 5 : i32
        %scan3A_131 = arith.addi %scan3A_93, %scan3A_130 : i32
        %broadcast_in_dim3A_132 = arith.constant 0.000000e+00 : f32
        %broadcast_in_dim3A_133 = vector.broadcast %broadcast_in_dim3A_132 : f32 to vector<16xf32>
        %mul3A_134 = arith.constant 16 : i32
        %mul3A_135 = arith.muli %scan3A_131, %mul3A_134 : i32
        %swap3A_136 = arith.index_cast %mul3A_135 : i32 to index
        %swap3A_137 = tpu.vector_load %arg7[%swap3A_136] {strides = array<i32>} : memref<50176xf32, #tpu.memory_space<vmem>>, vector<16xf32>,
        tpu.vector_store %arg7[%swap3A_136], %broadcast_in_dim3A_133 {strides = array<i32>} : memref<50176xf32, #tpu.memory_space<vmem>>, vector<16xf32>,
        %scan3A_138 = arith.constant 6 : i32
        %scan3A_139 = arith.addi %scan3A_93, %scan3A_138 : i32
        %broadcast_in_dim3A_140 = arith.constant 0.000000e+00 : f32
        %broadcast_in_dim3A_141 = vector.broadcast %broadcast_in_dim3A_140 : f32 to vector<16xf32>
        %mul3A_142 = arith.constant 16 : i32
        %mul3A_143 = arith.muli %scan3A_139, %mul3A_142 : i32
        %swap3A_144 = arith.index_cast %mul3A_143 : i32 to index
        %swap3A_145 = tpu.vector_load %arg7[%swap3A_144] {strides = array<i32>} : memref<50176xf32, #tpu.memory_space<vmem>>, vector<16xf32>,
        tpu.vector_store %arg7[%swap3A_144], %broadcast_in_dim3A_141 {strides = array<i32>} : memref<50176xf32, #tpu.memory_space<vmem>>, vector<16xf32>,
        %scan3A_146 = arith.constant 7 : i32
        %scan3A_147 = arith.addi %scan3A_93, %scan3A_146 : i32
        %broadcast_in_dim3A_148 = arith.constant 0.000000e+00 : f32
        %broadcast_in_dim3A_149 = vector.broadcast %broadcast_in_dim3A_148 : f32 to vector<16xf32>
        %mul3A_150 = arith.constant 16 : i32
        %mul3A_151 = arith.muli %scan3A_147, %mul3A_150 : i32
        %swap3A_152 = arith.index_cast %mul3A_151 : i32 to index
        %swap3A_153 = tpu.vector_load %arg7[%swap3A_152] {strides = array<i32>} : memref<50176xf32, #tpu.memory_space<vmem>>, vector<16xf32>,
        tpu.vector_store %arg7[%swap3A_152], %broadcast_in_dim3A_149 {strides = array<i32>} : memref<50176xf32, #tpu.memory_space<vmem>>, vector<16xf32>,
      }
      %scan3A_15 = arith.constant 3136 : i32
      %dma_wait3A = tpu.memref_slice %arg2[%mul3A_7] : memref<1600000xi32, #tpu.memory_space<hbm>> -> memref<10000xi32, #tpu.memory_space<hbm>>
      %dma_wait3A_16 = tpu.memref_slice %arg2[%mul3A_7] : memref<1600000xi32, #tpu.memory_space<hbm>> -> memref<10000xi32, #tpu.memory_space<hbm>>
      tpu.wait_dma2 semaphore(%arg12 : memref<!tpu.dma_semaphore, #tpu.memory_space<semaphore_mem>>) src(%dma_wait3A_16 : memref<10000xi32, #tpu.memory_space<hbm>>) dst(%arg8 : memref<10000xi32, #tpu.memory_space<vmem>>)
      %dma_wait3A_17 = tpu.memref_slice %arg3[%mul3A_7] : memref<800000xf32, #tpu.memory_space<hbm>> -> memref<10000xf32, #tpu.memory_space<hbm>>
      %dma_wait3A_18 = tpu.memref_slice %arg3[%mul3A_7] : memref<800000xf32, #tpu.memory_space<hbm>> -> memref<10000xf32, #tpu.memory_space<hbm>>
      tpu.wait_dma2 semaphore(%arg12 : memref<!tpu.dma_semaphore, #tpu.memory_space<semaphore_mem>>) src(%dma_wait3A_18 : memref<10000xf32, #tpu.memory_space<hbm>>) dst(%arg9 : memref<10000xf32, #tpu.memory_space<vmem>>)
      %add3A = arith.constant 10000 : i32
      %add3A_19 = arith.addi %mul3A_7, %add3A : i32
      %dma_start3A_20 = tpu.memref_slice %arg2[%add3A_19] : memref<1600000xi32, #tpu.memory_space<hbm>> -> memref<10000xi32, #tpu.memory_space<hbm>>
      %dma_start3A_21 = tpu.memref_slice %arg2[%add3A_19] : memref<1600000xi32, #tpu.memory_space<hbm>> -> memref<10000xi32, #tpu.memory_space<hbm>>
      tpu.enqueue_dma source(%dma_start3A_21 : memref<10000xi32, #tpu.memory_space<hbm>>) target(%arg10 : memref<10000xi32, #tpu.memory_space<vmem>>) target_semaphore(%arg12 : memref<!tpu.dma_semaphore, #tpu.memory_space<semaphore_mem>>)
      %dma_start3A_22 = tpu.memref_slice %arg3[%add3A_19] : memref<800000xf32, #tpu.memory_space<hbm>> -> memref<10000xf32, #tpu.memory_space<hbm>>
      %dma_start3A_23 = tpu.memref_slice %arg3[%add3A_19] : memref<800000xf32, #tpu.memory_space<hbm>> -> memref<10000xf32, #tpu.memory_space<hbm>>
      tpu.enqueue_dma source(%dma_start3A_23 : memref<10000xf32, #tpu.memory_space<hbm>>) target(%arg11 : memref<10000xf32, #tpu.memory_space<vmem>>) target_semaphore(%arg12 : memref<!tpu.dma_semaphore, #tpu.memory_space<semaphore_mem>>)
      %scan3A_24 = arith.constant 0 : i32
      %scan3A_25 = arith.constant 0 : i32
      %scan3A_26 = arith.constant 625 : i32
      %scan3A_27 = arith.addi %scan3A_25, %scan3A_26 : i32
      %scan3A_28 = arith.constant 5 : i32
      scf.for %scan3A_93 = %scan3A_25 to %scan3A_27 step %scan3A_28  : i32 {
        %mul3A_94 = arith.constant 16 : i32
        %mul3A_95 = arith.muli %scan3A_93, %mul3A_94 : i32
        %get3A = arith.index_cast %mul3A_95 : i32 to index
        %get3A_96 = tpu.vector_load %arg8[%get3A] {strides = array<i32>} : memref<10000xi32, #tpu.memory_space<vmem>>, vector<16xi32>,
        %mul3A_97 = arith.constant 16 : i32
        %mul3A_98 = arith.muli %scan3A_93, %mul3A_97 : i32
        %get3A_99 = arith.index_cast %mul3A_98 : i32 to index
        %get3A_100 = tpu.vector_load %arg9[%get3A_99] {strides = array<i32>} : memref<10000xf32, #tpu.memory_space<vmem>>, vector<16xf32>,
        tpu.vector_store_idx %arg7[%get3A_96], %get3A_100 {add = true} : memref<50176xf32, #tpu.memory_space<vmem>>[vector<16xi32>], vector<16xf32>,
        %scan3A_101 = arith.constant 1 : i32
        %scan3A_102 = arith.addi %scan3A_93, %scan3A_101 : i32
        %mul3A_103 = arith.constant 16 : i32
        %mul3A_104 = arith.muli %scan3A_102, %mul3A_103 : i32
        %get3A_105 = arith.index_cast %mul3A_104 : i32 to index
        %get3A_106 = tpu.vector_load %arg8[%get3A_105] {strides = array<i32>} : memref<10000xi32, #tpu.memory_space<vmem>>, vector<16xi32>,
        %mul3A_107 = arith.constant 16 : i32
        %mul3A_108 = arith.muli %scan3A_102, %mul3A_107 : i32
        %get3A_109 = arith.index_cast %mul3A_108 : i32 to index
        %get3A_110 = tpu.vector_load %arg9[%get3A_109] {strides = array<i32>} : memref<10000xf32, #tpu.memory_space<vmem>>, vector<16xf32>,
        tpu.vector_store_idx %arg7[%get3A_106], %get3A_110 {add = true} : memref<50176xf32, #tpu.memory_space<vmem>>[vector<16xi32>], vector<16xf32>,
        %scan3A_111 = arith.constant 2 : i32
        %scan3A_112 = arith.addi %scan3A_93, %scan3A_111 : i32
        %mul3A_113 = arith.constant 16 : i32
        %mul3A_114 = arith.muli %scan3A_112, %mul3A_113 : i32
        %get3A_115 = arith.index_cast %mul3A_114 : i32 to index
        %get3A_116 = tpu.vector_load %arg8[%get3A_115] {strides = array<i32>} : memref<10000xi32, #tpu.memory_space<vmem>>, vector<16xi32>,
        %mul3A_117 = arith.constant 16 : i32
        %mul3A_118 = arith.muli %scan3A_112, %mul3A_117 : i32
        %get3A_119 = arith.index_cast %mul3A_118 : i32 to index
        %get3A_120 = tpu.vector_load %arg9[%get3A_119] {strides = array<i32>} : memref<10000xf32, #tpu.memory_space<vmem>>, vector<16xf32>,
        tpu.vector_store_idx %arg7[%get3A_116], %get3A_120 {add = true} : memref<50176xf32, #tpu.memory_space<vmem>>[vector<16xi32>], vector<16xf32>,
        %scan3A_121 = arith.constant 3 : i32
        %scan3A_122 = arith.addi %scan3A_93, %scan3A_121 : i32
        %mul3A_123 = arith.constant 16 : i32
        %mul3A_124 = arith.muli %scan3A_122, %mul3A_123 : i32
        %get3A_125 = arith.index_cast %mul3A_124 : i32 to index
        %get3A_126 = tpu.vector_load %arg8[%get3A_125] {strides = array<i32>} : memref<10000xi32, #tpu.memory_space<vmem>>, vector<16xi32>,
        %mul3A_127 = arith.constant 16 : i32
        %mul3A_128 = arith.muli %scan3A_122, %mul3A_127 : i32
        %get3A_129 = arith.index_cast %mul3A_128 : i32 to index
        %get3A_130 = tpu.vector_load %arg9[%get3A_129] {strides = array<i32>} : memref<10000xf32, #tpu.memory_space<vmem>>, vector<16xf32>,
        tpu.vector_store_idx %arg7[%get3A_126], %get3A_130 {add = true} : memref<50176xf32, #tpu.memory_space<vmem>>[vector<16xi32>], vector<16xf32>,
        %scan3A_131 = arith.constant 4 : i32
        %scan3A_132 = arith.addi %scan3A_93, %scan3A_131 : i32
        %mul3A_133 = arith.constant 16 : i32
        %mul3A_134 = arith.muli %scan3A_132, %mul3A_133 : i32
        %get3A_135 = arith.index_cast %mul3A_134 : i32 to index
        %get3A_136 = tpu.vector_load %arg8[%get3A_135] {strides = array<i32>} : memref<10000xi32, #tpu.memory_space<vmem>>, vector<16xi32>,
        %mul3A_137 = arith.constant 16 : i32
        %mul3A_138 = arith.muli %scan3A_132, %mul3A_137 : i32
        %get3A_139 = arith.index_cast %mul3A_138 : i32 to index
        %get3A_140 = tpu.vector_load %arg9[%get3A_139] {strides = array<i32>} : memref<10000xf32, #tpu.memory_space<vmem>>, vector<16xf32>,
        tpu.vector_store_idx %arg7[%get3A_136], %get3A_140 {add = true} : memref<50176xf32, #tpu.memory_space<vmem>>[vector<16xi32>], vector<16xf32>,
      }
      %scan3A_29 = arith.constant 625 : i32
      %dma_wait3A_30 = tpu.memref_slice %arg2[%add3A_19] : memref<1600000xi32, #tpu.memory_space<hbm>> -> memref<10000xi32, #tpu.memory_space<hbm>>
      %dma_wait3A_31 = tpu.memref_slice %arg2[%add3A_19] : memref<1600000xi32, #tpu.memory_space<hbm>> -> memref<10000xi32, #tpu.memory_space<hbm>>
      tpu.wait_dma2 semaphore(%arg12 : memref<!tpu.dma_semaphore, #tpu.memory_space<semaphore_mem>>) src(%dma_wait3A_31 : memref<10000xi32, #tpu.memory_space<hbm>>) dst(%arg10 : memref<10000xi32, #tpu.memory_space<vmem>>)
      %dma_wait3A_32 = tpu.memref_slice %arg3[%add3A_19] : memref<800000xf32, #tpu.memory_space<hbm>> -> memref<10000xf32, #tpu.memory_space<hbm>>
      %dma_wait3A_33 = tpu.memref_slice %arg3[%add3A_19] : memref<800000xf32, #tpu.memory_space<hbm>> -> memref<10000xf32, #tpu.memory_space<hbm>>
      tpu.wait_dma2 semaphore(%arg12 : memref<!tpu.dma_semaphore, #tpu.memory_space<semaphore_mem>>) src(%dma_wait3A_33 : memref<10000xf32, #tpu.memory_space<hbm>>) dst(%arg11 : memref<10000xf32, #tpu.memory_space<vmem>>)
      %add3A_34 = arith.constant 20000 : i32
      %add3A_35 = arith.addi %mul3A_7, %add3A_34 : i32
      %dma_start3A_36 = tpu.memref_slice %arg2[%add3A_35] : memref<1600000xi32, #tpu.memory_space<hbm>> -> memref<10000xi32, #tpu.memory_space<hbm>>
      %dma_start3A_37 = tpu.memref_slice %arg2[%add3A_35] : memref<1600000xi32, #tpu.memory_space<hbm>> -> memref<10000xi32, #tpu.memory_space<hbm>>
      tpu.enqueue_dma source(%dma_start3A_37 : memref<10000xi32, #tpu.memory_space<hbm>>) target(%arg8 : memref<10000xi32, #tpu.memory_space<vmem>>) target_semaphore(%arg12 : memref<!tpu.dma_semaphore, #tpu.memory_space<semaphore_mem>>)
      %dma_start3A_38 = tpu.memref_slice %arg3[%add3A_35] : memref<800000xf32, #tpu.memory_space<hbm>> -> memref<10000xf32, #tpu.memory_space<hbm>>
      %dma_start3A_39 = tpu.memref_slice %arg3[%add3A_35] : memref<800000xf32, #tpu.memory_space<hbm>> -> memref<10000xf32, #tpu.memory_space<hbm>>
      tpu.enqueue_dma source(%dma_start3A_39 : memref<10000xf32, #tpu.memory_space<hbm>>) target(%arg9 : memref<10000xf32, #tpu.memory_space<vmem>>) target_semaphore(%arg12 : memref<!tpu.dma_semaphore, #tpu.memory_space<semaphore_mem>>)
      %scan3A_40 = arith.constant 0 : i32
      %scan3A_41 = arith.constant 0 : i32
      %scan3A_42 = arith.constant 625 : i32
      %scan3A_43 = arith.addi %scan3A_41, %scan3A_42 : i32
      %scan3A_44 = arith.constant 5 : i32
      scf.for %scan3A_93 = %scan3A_41 to %scan3A_43 step %scan3A_44  : i32 {
        %mul3A_94 = arith.constant 16 : i32
        %mul3A_95 = arith.muli %scan3A_93, %mul3A_94 : i32
        %get3A = arith.index_cast %mul3A_95 : i32 to index
        %get3A_96 = tpu.vector_load %arg10[%get3A] {strides = array<i32>} : memref<10000xi32, #tpu.memory_space<vmem>>, vector<16xi32>,
        %mul3A_97 = arith.constant 16 : i32
        %mul3A_98 = arith.muli %scan3A_93, %mul3A_97 : i32
        %get3A_99 = arith.index_cast %mul3A_98 : i32 to index
        %get3A_100 = tpu.vector_load %arg11[%get3A_99] {strides = array<i32>} : memref<10000xf32, #tpu.memory_space<vmem>>, vector<16xf32>,
        tpu.vector_store_idx %arg7[%get3A_96], %get3A_100 {add = true} : memref<50176xf32, #tpu.memory_space<vmem>>[vector<16xi32>], vector<16xf32>,
        %scan3A_101 = arith.constant 1 : i32
        %scan3A_102 = arith.addi %scan3A_93, %scan3A_101 : i32
        %mul3A_103 = arith.constant 16 : i32
        %mul3A_104 = arith.muli %scan3A_102, %mul3A_103 : i32
        %get3A_105 = arith.index_cast %mul3A_104 : i32 to index
        %get3A_106 = tpu.vector_load %arg10[%get3A_105] {strides = array<i32>} : memref<10000xi32, #tpu.memory_space<vmem>>, vector<16xi32>,
        %mul3A_107 = arith.constant 16 : i32
        %mul3A_108 = arith.muli %scan3A_102, %mul3A_107 : i32
        %get3A_109 = arith.index_cast %mul3A_108 : i32 to index
        %get3A_110 = tpu.vector_load %arg11[%get3A_109] {strides = array<i32>} : memref<10000xf32, #tpu.memory_space<vmem>>, vector<16xf32>,
        tpu.vector_store_idx %arg7[%get3A_106], %get3A_110 {add = true} : memref<50176xf32, #tpu.memory_space<vmem>>[vector<16xi32>], vector<16xf32>,
        %scan3A_111 = arith.constant 2 : i32
        %scan3A_112 = arith.addi %scan3A_93, %scan3A_111 : i32
        %mul3A_113 = arith.constant 16 : i32
        %mul3A_114 = arith.muli %scan3A_112, %mul3A_113 : i32
        %get3A_115 = arith.index_cast %mul3A_114 : i32 to index
        %get3A_116 = tpu.vector_load %arg10[%get3A_115] {strides = array<i32>} : memref<10000xi32, #tpu.memory_space<vmem>>, vector<16xi32>,
        %mul3A_117 = arith.constant 16 : i32
        %mul3A_118 = arith.muli %scan3A_112, %mul3A_117 : i32
        %get3A_119 = arith.index_cast %mul3A_118 : i32 to index
        %get3A_120 = tpu.vector_load %arg11[%get3A_119] {strides = array<i32>} : memref<10000xf32, #tpu.memory_space<vmem>>, vector<16xf32>,
        tpu.vector_store_idx %arg7[%get3A_116], %get3A_120 {add = true} : memref<50176xf32, #tpu.memory_space<vmem>>[vector<16xi32>], vector<16xf32>,
        %scan3A_121 = arith.constant 3 : i32
        %scan3A_122 = arith.addi %scan3A_93, %scan3A_121 : i32
        %mul3A_123 = arith.constant 16 : i32
        %mul3A_124 = arith.muli %scan3A_122, %mul3A_123 : i32
        %get3A_125 = arith.index_cast %mul3A_124 : i32 to index
        %get3A_126 = tpu.vector_load %arg10[%get3A_125] {strides = array<i32>} : memref<10000xi32, #tpu.memory_space<vmem>>, vector<16xi32>,
        %mul3A_127 = arith.constant 16 : i32
        %mul3A_128 = arith.muli %scan3A_122, %mul3A_127 : i32
        %get3A_129 = arith.index_cast %mul3A_128 : i32 to index
        %get3A_130 = tpu.vector_load %arg11[%get3A_129] {strides = array<i32>} : memref<10000xf32, #tpu.memory_space<vmem>>, vector<16xf32>,
        tpu.vector_store_idx %arg7[%get3A_126], %get3A_130 {add = true} : memref<50176xf32, #tpu.memory_space<vmem>>[vector<16xi32>], vector<16xf32>,
        %scan3A_131 = arith.constant 4 : i32
        %scan3A_132 = arith.addi %scan3A_93, %scan3A_131 : i32
        %mul3A_133 = arith.constant 16 : i32
        %mul3A_134 = arith.muli %scan3A_132, %mul3A_133 : i32
        %get3A_135 = arith.index_cast %mul3A_134 : i32 to index
        %get3A_136 = tpu.vector_load %arg10[%get3A_135] {strides = array<i32>} : memref<10000xi32, #tpu.memory_space<vmem>>, vector<16xi32>,
        %mul3A_137 = arith.constant 16 : i32
        %mul3A_138 = arith.muli %scan3A_132, %mul3A_137 : i32
        %get3A_139 = arith.index_cast %mul3A_138 : i32 to index
        %get3A_140 = tpu.vector_load %arg11[%get3A_139] {strides = array<i32>} : memref<10000xf32, #tpu.memory_space<vmem>>, vector<16xf32>,
        tpu.vector_store_idx %arg7[%get3A_136], %get3A_140 {add = true} : memref<50176xf32, #tpu.memory_space<vmem>>[vector<16xi32>], vector<16xf32>,
      }
      %scan3A_45 = arith.constant 625 : i32
      %dma_wait3A_46 = tpu.memref_slice %arg2[%add3A_35] : memref<1600000xi32, #tpu.memory_space<hbm>> -> memref<10000xi32, #tpu.memory_space<hbm>>
      %dma_wait3A_47 = tpu.memref_slice %arg2[%add3A_35] : memref<1600000xi32, #tpu.memory_space<hbm>> -> memref<10000xi32, #tpu.memory_space<hbm>>
      tpu.wait_dma2 semaphore(%arg12 : memref<!tpu.dma_semaphore, #tpu.memory_space<semaphore_mem>>) src(%dma_wait3A_47 : memref<10000xi32, #tpu.memory_space<hbm>>) dst(%arg8 : memref<10000xi32, #tpu.memory_space<vmem>>)
      %dma_wait3A_48 = tpu.memref_slice %arg3[%add3A_35] : memref<800000xf32, #tpu.memory_space<hbm>> -> memref<10000xf32, #tpu.memory_space<hbm>>
      %dma_wait3A_49 = tpu.memref_slice %arg3[%add3A_35] : memref<800000xf32, #tpu.memory_space<hbm>> -> memref<10000xf32, #tpu.memory_space<hbm>>
      tpu.wait_dma2 semaphore(%arg12 : memref<!tpu.dma_semaphore, #tpu.memory_space<semaphore_mem>>) src(%dma_wait3A_49 : memref<10000xf32, #tpu.memory_space<hbm>>) dst(%arg9 : memref<10000xf32, #tpu.memory_space<vmem>>)
      %add3A_50 = arith.constant 30000 : i32
      %add3A_51 = arith.addi %mul3A_7, %add3A_50 : i32
      %dma_start3A_52 = tpu.memref_slice %arg2[%add3A_51] : memref<1600000xi32, #tpu.memory_space<hbm>> -> memref<10000xi32, #tpu.memory_space<hbm>>
      %dma_start3A_53 = tpu.memref_slice %arg2[%add3A_51] : memref<1600000xi32, #tpu.memory_space<hbm>> -> memref<10000xi32, #tpu.memory_space<hbm>>
      tpu.enqueue_dma source(%dma_start3A_53 : memref<10000xi32, #tpu.memory_space<hbm>>) target(%arg10 : memref<10000xi32, #tpu.memory_space<vmem>>) target_semaphore(%arg12 : memref<!tpu.dma_semaphore, #tpu.memory_space<semaphore_mem>>)
      %dma_start3A_54 = tpu.memref_slice %arg3[%add3A_51] : memref<800000xf32, #tpu.memory_space<hbm>> -> memref<10000xf32, #tpu.memory_space<hbm>>
      %dma_start3A_55 = tpu.memref_slice %arg3[%add3A_51] : memref<800000xf32, #tpu.memory_space<hbm>> -> memref<10000xf32, #tpu.memory_space<hbm>>
      tpu.enqueue_dma source(%dma_start3A_55 : memref<10000xf32, #tpu.memory_space<hbm>>) target(%arg11 : memref<10000xf32, #tpu.memory_space<vmem>>) target_semaphore(%arg12 : memref<!tpu.dma_semaphore, #tpu.memory_space<semaphore_mem>>)
      %scan3A_56 = arith.constant 0 : i32
      %scan3A_57 = arith.constant 0 : i32
      %scan3A_58 = arith.constant 625 : i32
      %scan3A_59 = arith.addi %scan3A_57, %scan3A_58 : i32
      %scan3A_60 = arith.constant 5 : i32
      scf.for %scan3A_93 = %scan3A_57 to %scan3A_59 step %scan3A_60  : i32 {
        %mul3A_94 = arith.constant 16 : i32
        %mul3A_95 = arith.muli %scan3A_93, %mul3A_94 : i32
        %get3A = arith.index_cast %mul3A_95 : i32 to index
        %get3A_96 = tpu.vector_load %arg8[%get3A] {strides = array<i32>} : memref<10000xi32, #tpu.memory_space<vmem>>, vector<16xi32>,
        %mul3A_97 = arith.constant 16 : i32
        %mul3A_98 = arith.muli %scan3A_93, %mul3A_97 : i32
        %get3A_99 = arith.index_cast %mul3A_98 : i32 to index
        %get3A_100 = tpu.vector_load %arg9[%get3A_99] {strides = array<i32>} : memref<10000xf32, #tpu.memory_space<vmem>>, vector<16xf32>,
        tpu.vector_store_idx %arg7[%get3A_96], %get3A_100 {add = true} : memref<50176xf32, #tpu.memory_space<vmem>>[vector<16xi32>], vector<16xf32>,
        %scan3A_101 = arith.constant 1 : i32
        %scan3A_102 = arith.addi %scan3A_93, %scan3A_101 : i32
        %mul3A_103 = arith.constant 16 : i32
        %mul3A_104 = arith.muli %scan3A_102, %mul3A_103 : i32
        %get3A_105 = arith.index_cast %mul3A_104 : i32 to index
        %get3A_106 = tpu.vector_load %arg8[%get3A_105] {strides = array<i32>} : memref<10000xi32, #tpu.memory_space<vmem>>, vector<16xi32>,
        %mul3A_107 = arith.constant 16 : i32
        %mul3A_108 = arith.muli %scan3A_102, %mul3A_107 : i32
        %get3A_109 = arith.index_cast %mul3A_108 : i32 to index
        %get3A_110 = tpu.vector_load %arg9[%get3A_109] {strides = array<i32>} : memref<10000xf32, #tpu.memory_space<vmem>>, vector<16xf32>,
        tpu.vector_store_idx %arg7[%get3A_106], %get3A_110 {add = true} : memref<50176xf32, #tpu.memory_space<vmem>>[vector<16xi32>], vector<16xf32>,
        %scan3A_111 = arith.constant 2 : i32
        %scan3A_112 = arith.addi %scan3A_93, %scan3A_111 : i32
        %mul3A_113 = arith.constant 16 : i32
        %mul3A_114 = arith.muli %scan3A_112, %mul3A_113 : i32
        %get3A_115 = arith.index_cast %mul3A_114 : i32 to index
        %get3A_116 = tpu.vector_load %arg8[%get3A_115] {strides = array<i32>} : memref<10000xi32, #tpu.memory_space<vmem>>, vector<16xi32>,
        %mul3A_117 = arith.constant 16 : i32
        %mul3A_118 = arith.muli %scan3A_112, %mul3A_117 : i32
        %get3A_119 = arith.index_cast %mul3A_118 : i32 to index
        %get3A_120 = tpu.vector_load %arg9[%get3A_119] {strides = array<i32>} : memref<10000xf32, #tpu.memory_space<vmem>>, vector<16xf32>,
        tpu.vector_store_idx %arg7[%get3A_116], %get3A_120 {add = true} : memref<50176xf32, #tpu.memory_space<vmem>>[vector<16xi32>], vector<16xf32>,
        %scan3A_121 = arith.constant 3 : i32
        %scan3A_122 = arith.addi %scan3A_93, %scan3A_121 : i32
        %mul3A_123 = arith.constant 16 : i32
        %mul3A_124 = arith.muli %scan3A_122, %mul3A_123 : i32
        %get3A_125 = arith.index_cast %mul3A_124 : i32 to index
        %get3A_126 = tpu.vector_load %arg8[%get3A_125] {strides = array<i32>} : memref<10000xi32, #tpu.memory_space<vmem>>, vector<16xi32>,
        %mul3A_127 = arith.constant 16 : i32
        %mul3A_128 = arith.muli %scan3A_122, %mul3A_127 : i32
        %get3A_129 = arith.index_cast %mul3A_128 : i32 to index
        %get3A_130 = tpu.vector_load %arg9[%get3A_129] {strides = array<i32>} : memref<10000xf32, #tpu.memory_space<vmem>>, vector<16xf32>,
        tpu.vector_store_idx %arg7[%get3A_126], %get3A_130 {add = true} : memref<50176xf32, #tpu.memory_space<vmem>>[vector<16xi32>], vector<16xf32>,
        %scan3A_131 = arith.constant 4 : i32
        %scan3A_132 = arith.addi %scan3A_93, %scan3A_131 : i32
        %mul3A_133 = arith.constant 16 : i32
        %mul3A_134 = arith.muli %scan3A_132, %mul3A_133 : i32
        %get3A_135 = arith.index_cast %mul3A_134 : i32 to index
        %get3A_136 = tpu.vector_load %arg8[%get3A_135] {strides = array<i32>} : memref<10000xi32, #tpu.memory_space<vmem>>, vector<16xi32>,
        %mul3A_137 = arith.constant 16 : i32
        %mul3A_138 = arith.muli %scan3A_132, %mul3A_137 : i32
        %get3A_139 = arith.index_cast %mul3A_138 : i32 to index
        %get3A_140 = tpu.vector_load %arg9[%get3A_139] {strides = array<i32>} : memref<10000xf32, #tpu.memory_space<vmem>>, vector<16xf32>,
        tpu.vector_store_idx %arg7[%get3A_136], %get3A_140 {add = true} : memref<50176xf32, #tpu.memory_space<vmem>>[vector<16xi32>], vector<16xf32>,
      }
      %scan3A_61 = arith.constant 625 : i32
      %dma_wait3A_62 = tpu.memref_slice %arg2[%add3A_51] : memref<1600000xi32, #tpu.memory_space<hbm>> -> memref<10000xi32, #tpu.memory_space<hbm>>
      %dma_wait3A_63 = tpu.memref_slice %arg2[%add3A_51] : memref<1600000xi32, #tpu.memory_space<hbm>> -> memref<10000xi32, #tpu.memory_space<hbm>>
      tpu.wait_dma2 semaphore(%arg12 : memref<!tpu.dma_semaphore, #tpu.memory_space<semaphore_mem>>) src(%dma_wait3A_63 : memref<10000xi32, #tpu.memory_space<hbm>>) dst(%arg10 : memref<10000xi32, #tpu.memory_space<vmem>>)
      %dma_wait3A_64 = tpu.memref_slice %arg3[%add3A_51] : memref<800000xf32, #tpu.memory_space<hbm>> -> memref<10000xf32, #tpu.memory_space<hbm>>
      %dma_wait3A_65 = tpu.memref_slice %arg3[%add3A_51] : memref<800000xf32, #tpu.memory_space<hbm>> -> memref<10000xf32, #tpu.memory_space<hbm>>
      tpu.wait_dma2 semaphore(%arg12 : memref<!tpu.dma_semaphore, #tpu.memory_space<semaphore_mem>>) src(%dma_wait3A_65 : memref<10000xf32, #tpu.memory_space<hbm>>) dst(%arg11 : memref<10000xf32, #tpu.memory_space<vmem>>)
      %add3A_66 = arith.constant 40000 : i32
      %add3A_67 = arith.addi %mul3A_7, %add3A_66 : i32
      %dma_start3A_68 = tpu.memref_slice %arg2[%add3A_67] : memref<1600000xi32, #tpu.memory_space<hbm>> -> memref<10000xi32, #tpu.memory_space<hbm>>
      %dma_start3A_69 = tpu.memref_slice %arg2[%add3A_67] : memref<1600000xi32, #tpu.memory_space<hbm>> -> memref<10000xi32, #tpu.memory_space<hbm>>
      tpu.enqueue_dma source(%dma_start3A_69 : memref<10000xi32, #tpu.memory_space<hbm>>) target(%arg8 : memref<10000xi32, #tpu.memory_space<vmem>>) target_semaphore(%arg12 : memref<!tpu.dma_semaphore, #tpu.memory_space<semaphore_mem>>)
      %dma_start3A_70 = tpu.memref_slice %arg3[%add3A_67] : memref<800000xf32, #tpu.memory_space<hbm>> -> memref<10000xf32, #tpu.memory_space<hbm>>
      %dma_start3A_71 = tpu.memref_slice %arg3[%add3A_67] : memref<800000xf32, #tpu.memory_space<hbm>> -> memref<10000xf32, #tpu.memory_space<hbm>>
      tpu.enqueue_dma source(%dma_start3A_71 : memref<10000xf32, #tpu.memory_space<hbm>>) target(%arg9 : memref<10000xf32, #tpu.memory_space<vmem>>) target_semaphore(%arg12 : memref<!tpu.dma_semaphore, #tpu.memory_space<semaphore_mem>>)
      %scan3A_72 = arith.constant 0 : i32
      %scan3A_73 = arith.constant 0 : i32
      %scan3A_74 = arith.constant 625 : i32
      %scan3A_75 = arith.addi %scan3A_73, %scan3A_74 : i32
      %scan3A_76 = arith.constant 5 : i32
      scf.for %scan3A_93 = %scan3A_73 to %scan3A_75 step %scan3A_76  : i32 {
        %mul3A_94 = arith.constant 16 : i32
        %mul3A_95 = arith.muli %scan3A_93, %mul3A_94 : i32
        %get3A = arith.index_cast %mul3A_95 : i32 to index
        %get3A_96 = tpu.vector_load %arg10[%get3A] {strides = array<i32>} : memref<10000xi32, #tpu.memory_space<vmem>>, vector<16xi32>,
        %mul3A_97 = arith.constant 16 : i32
        %mul3A_98 = arith.muli %scan3A_93, %mul3A_97 : i32
        %get3A_99 = arith.index_cast %mul3A_98 : i32 to index
        %get3A_100 = tpu.vector_load %arg11[%get3A_99] {strides = array<i32>} : memref<10000xf32, #tpu.memory_space<vmem>>, vector<16xf32>,
        tpu.vector_store_idx %arg7[%get3A_96], %get3A_100 {add = true} : memref<50176xf32, #tpu.memory_space<vmem>>[vector<16xi32>], vector<16xf32>,
        %scan3A_101 = arith.constant 1 : i32
        %scan3A_102 = arith.addi %scan3A_93, %scan3A_101 : i32
        %mul3A_103 = arith.constant 16 : i32
        %mul3A_104 = arith.muli %scan3A_102, %mul3A_103 : i32
        %get3A_105 = arith.index_cast %mul3A_104 : i32 to index
        %get3A_106 = tpu.vector_load %arg10[%get3A_105] {strides = array<i32>} : memref<10000xi32, #tpu.memory_space<vmem>>, vector<16xi32>,
        %mul3A_107 = arith.constant 16 : i32
        %mul3A_108 = arith.muli %scan3A_102, %mul3A_107 : i32
        %get3A_109 = arith.index_cast %mul3A_108 : i32 to index
        %get3A_110 = tpu.vector_load %arg11[%get3A_109] {strides = array<i32>} : memref<10000xf32, #tpu.memory_space<vmem>>, vector<16xf32>,
        tpu.vector_store_idx %arg7[%get3A_106], %get3A_110 {add = true} : memref<50176xf32, #tpu.memory_space<vmem>>[vector<16xi32>], vector<16xf32>,
        %scan3A_111 = arith.constant 2 : i32
        %scan3A_112 = arith.addi %scan3A_93, %scan3A_111 : i32
        %mul3A_113 = arith.constant 16 : i32
        %mul3A_114 = arith.muli %scan3A_112, %mul3A_113 : i32
        %get3A_115 = arith.index_cast %mul3A_114 : i32 to index
        %get3A_116 = tpu.vector_load %arg10[%get3A_115] {strides = array<i32>} : memref<10000xi32, #tpu.memory_space<vmem>>, vector<16xi32>,
        %mul3A_117 = arith.constant 16 : i32
        %mul3A_118 = arith.muli %scan3A_112, %mul3A_117 : i32
        %get3A_119 = arith.index_cast %mul3A_118 : i32 to index
        %get3A_120 = tpu.vector_load %arg11[%get3A_119] {strides = array<i32>} : memref<10000xf32, #tpu.memory_space<vmem>>, vector<16xf32>,
        tpu.vector_store_idx %arg7[%get3A_116], %get3A_120 {add = true} : memref<50176xf32, #tpu.memory_space<vmem>>[vector<16xi32>], vector<16xf32>,
        %scan3A_121 = arith.constant 3 : i32
        %scan3A_122 = arith.addi %scan3A_93, %scan3A_121 : i32
        %mul3A_123 = arith.constant 16 : i32
        %mul3A_124 = arith.muli %scan3A_122, %mul3A_123 : i32
        %get3A_125 = arith.index_cast %mul3A_124 : i32 to index
        %get3A_126 = tpu.vector_load %arg10[%get3A_125] {strides = array<i32>} : memref<10000xi32, #tpu.memory_space<vmem>>, vector<16xi32>,
        %mul3A_127 = arith.constant 16 : i32
        %mul3A_128 = arith.muli %scan3A_122, %mul3A_127 : i32
        %get3A_129 = arith.index_cast %mul3A_128 : i32 to index
        %get3A_130 = tpu.vector_load %arg11[%get3A_129] {strides = array<i32>} : memref<10000xf32, #tpu.memory_space<vmem>>, vector<16xf32>,
        tpu.vector_store_idx %arg7[%get3A_126], %get3A_130 {add = true} : memref<50176xf32, #tpu.memory_space<vmem>>[vector<16xi32>], vector<16xf32>,
        %scan3A_131 = arith.constant 4 : i32
        %scan3A_132 = arith.addi %scan3A_93, %scan3A_131 : i32
        %mul3A_133 = arith.constant 16 : i32
        %mul3A_134 = arith.muli %scan3A_132, %mul3A_133 : i32
        %get3A_135 = arith.index_cast %mul3A_134 : i32 to index
        %get3A_136 = tpu.vector_load %arg10[%get3A_135] {strides = array<i32>} : memref<10000xi32, #tpu.memory_space<vmem>>, vector<16xi32>,
        %mul3A_137 = arith.constant 16 : i32
        %mul3A_138 = arith.muli %scan3A_132, %mul3A_137 : i32
        %get3A_139 = arith.index_cast %mul3A_138 : i32 to index
        %get3A_140 = tpu.vector_load %arg11[%get3A_139] {strides = array<i32>} : memref<10000xf32, #tpu.memory_space<vmem>>, vector<16xf32>,
        tpu.vector_store_idx %arg7[%get3A_136], %get3A_140 {add = true} : memref<50176xf32, #tpu.memory_space<vmem>>[vector<16xi32>], vector<16xf32>,
      }
      %scan3A_77 = arith.constant 625 : i32
      %dma_wait3A_78 = tpu.memref_slice %arg2[%add3A_67] : memref<1600000xi32, #tpu.memory_space<hbm>> -> memref<10000xi32, #tpu.memory_space<hbm>>
      %dma_wait3A_79 = tpu.memref_slice %arg2[%add3A_67] : memref<1600000xi32, #tpu.memory_space<hbm>> -> memref<10000xi32, #tpu.memory_space<hbm>>
      tpu.wait_dma2 semaphore(%arg12 : memref<!tpu.dma_semaphore, #tpu.memory_space<semaphore_mem>>) src(%dma_wait3A_79 : memref<10000xi32, #tpu.memory_space<hbm>>) dst(%arg8 : memref<10000xi32, #tpu.memory_space<vmem>>)
      %dma_wait3A_80 = tpu.memref_slice %arg3[%add3A_67] : memref<800000xf32, #tpu.memory_space<hbm>> -> memref<10000xf32, #tpu.memory_space<hbm>>
      %dma_wait3A_81 = tpu.memref_slice %arg3[%add3A_67] : memref<800000xf32, #tpu.memory_space<hbm>> -> memref<10000xf32, #tpu.memory_space<hbm>>
      tpu.wait_dma2 semaphore(%arg12 : memref<!tpu.dma_semaphore, #tpu.memory_space<semaphore_mem>>) src(%dma_wait3A_81 : memref<10000xf32, #tpu.memory_space<hbm>>) dst(%arg9 : memref<10000xf32, #tpu.memory_space<vmem>>)
      %scan3A_82 = arith.constant 0 : i32
      %scan3A_83 = arith.constant 0 : i32
      %scan3A_84 = arith.constant 625 : i32
      %scan3A_85 = arith.addi %scan3A_83, %scan3A_84 : i32
      %scan3A_86 = arith.constant 5 : i32
      scf.for %scan3A_93 = %scan3A_83 to %scan3A_85 step %scan3A_86  : i32 {
        %mul3A_94 = arith.constant 16 : i32
        %mul3A_95 = arith.muli %scan3A_93, %mul3A_94 : i32
        %get3A = arith.index_cast %mul3A_95 : i32 to index
        %get3A_96 = tpu.vector_load %arg8[%get3A] {strides = array<i32>} : memref<10000xi32, #tpu.memory_space<vmem>>, vector<16xi32>,
        %mul3A_97 = arith.constant 16 : i32
        %mul3A_98 = arith.muli %scan3A_93, %mul3A_97 : i32
        %get3A_99 = arith.index_cast %mul3A_98 : i32 to index
        %get3A_100 = tpu.vector_load %arg9[%get3A_99] {strides = array<i32>} : memref<10000xf32, #tpu.memory_space<vmem>>, vector<16xf32>,
        tpu.vector_store_idx %arg7[%get3A_96], %get3A_100 {add = true} : memref<50176xf32, #tpu.memory_space<vmem>>[vector<16xi32>], vector<16xf32>,
        %scan3A_101 = arith.constant 1 : i32
        %scan3A_102 = arith.addi %scan3A_93, %scan3A_101 : i32
        %mul3A_103 = arith.constant 16 : i32
        %mul3A_104 = arith.muli %scan3A_102, %mul3A_103 : i32
        %get3A_105 = arith.index_cast %mul3A_104 : i32 to index
        %get3A_106 = tpu.vector_load %arg8[%get3A_105] {strides = array<i32>} : memref<10000xi32, #tpu.memory_space<vmem>>, vector<16xi32>,
        %mul3A_107 = arith.constant 16 : i32
        %mul3A_108 = arith.muli %scan3A_102, %mul3A_107 : i32
        %get3A_109 = arith.index_cast %mul3A_108 : i32 to index
        %get3A_110 = tpu.vector_load %arg9[%get3A_109] {strides = array<i32>} : memref<10000xf32, #tpu.memory_space<vmem>>, vector<16xf32>,
        tpu.vector_store_idx %arg7[%get3A_106], %get3A_110 {add = true} : memref<50176xf32, #tpu.memory_space<vmem>>[vector<16xi32>], vector<16xf32>,
        %scan3A_111 = arith.constant 2 : i32
        %scan3A_112 = arith.addi %scan3A_93, %scan3A_111 : i32
        %mul3A_113 = arith.constant 16 : i32
        %mul3A_114 = arith.muli %scan3A_112, %mul3A_113 : i32
        %get3A_115 = arith.index_cast %mul3A_114 : i32 to index
        %get3A_116 = tpu.vector_load %arg8[%get3A_115] {strides = array<i32>} : memref<10000xi32, #tpu.memory_space<vmem>>, vector<16xi32>,
        %mul3A_117 = arith.constant 16 : i32
        %mul3A_118 = arith.muli %scan3A_112, %mul3A_117 : i32
        %get3A_119 = arith.index_cast %mul3A_118 : i32 to index
        %get3A_120 = tpu.vector_load %arg9[%get3A_119] {strides = array<i32>} : memref<10000xf32, #tpu.memory_space<vmem>>, vector<16xf32>,
        tpu.vector_store_idx %arg7[%get3A_116], %get3A_120 {add = true} : memref<50176xf32, #tpu.memory_space<vmem>>[vector<16xi32>], vector<16xf32>,
        %scan3A_121 = arith.constant 3 : i32
        %scan3A_122 = arith.addi %scan3A_93, %scan3A_121 : i32
        %mul3A_123 = arith.constant 16 : i32
        %mul3A_124 = arith.muli %scan3A_122, %mul3A_123 : i32
        %get3A_125 = arith.index_cast %mul3A_124 : i32 to index
        %get3A_126 = tpu.vector_load %arg8[%get3A_125] {strides = array<i32>} : memref<10000xi32, #tpu.memory_space<vmem>>, vector<16xi32>,
        %mul3A_127 = arith.constant 16 : i32
        %mul3A_128 = arith.muli %scan3A_122, %mul3A_127 : i32
        %get3A_129 = arith.index_cast %mul3A_128 : i32 to index
        %get3A_130 = tpu.vector_load %arg9[%get3A_129] {strides = array<i32>} : memref<10000xf32, #tpu.memory_space<vmem>>, vector<16xf32>,
        tpu.vector_store_idx %arg7[%get3A_126], %get3A_130 {add = true} : memref<50176xf32, #tpu.memory_space<vmem>>[vector<16xi32>], vector<16xf32>,
        %scan3A_131 = arith.constant 4 : i32
        %scan3A_132 = arith.addi %scan3A_93, %scan3A_131 : i32
        %mul3A_133 = arith.constant 16 : i32
        %mul3A_134 = arith.muli %scan3A_132, %mul3A_133 : i32
        %get3A_135 = arith.index_cast %mul3A_134 : i32 to index
        %get3A_136 = tpu.vector_load %arg8[%get3A_135] {strides = array<i32>} : memref<10000xi32, #tpu.memory_space<vmem>>, vector<16xi32>,
        %mul3A_137 = arith.constant 16 : i32
        %mul3A_138 = arith.muli %scan3A_132, %mul3A_137 : i32
        %get3A_139 = arith.index_cast %mul3A_138 : i32 to index
        %get3A_140 = tpu.vector_load %arg9[%get3A_139] {strides = array<i32>} : memref<10000xf32, #tpu.memory_space<vmem>>, vector<16xf32>,
        tpu.vector_store_idx %arg7[%get3A_136], %get3A_140 {add = true} : memref<50176xf32, #tpu.memory_space<vmem>>[vector<16xi32>], vector<16xf32>,
      }
      %scan3A_87 = arith.constant 625 : i32
      %mul3A_88 = arith.constant 16 : i32
      %mul3A_89 = arith.muli %arg0, %mul3A_88 : i32
      %add3A_90 = arith.addi %mul3A_89, %arg1 : i32
      %mul3A_91 = arith.constant 50176 : i32
      %mul3A_92 = arith.muli %add3A_90, %mul3A_91 : i32
      "tpu.region"() ({
        %run_scoped3A = tpu.sem_alloc : memref<!tpu.dma_semaphore, #tpu.memory_space<semaphore_mem>>
        %dma_start3A_93 = tpu.memref_slice %arg6[%mul3A_92] : memref<1605632xf32, #tpu.memory_space<hbm>> -> memref<50176xf32, #tpu.memory_space<hbm>>
        %dma_start3A_94 = tpu.memref_slice %arg6[%mul3A_92] : memref<1605632xf32, #tpu.memory_space<hbm>> -> memref<50176xf32, #tpu.memory_space<hbm>>
        tpu.enqueue_dma source(%arg7 : memref<50176xf32, #tpu.memory_space<vmem>>) target(%dma_start3A_94 : memref<50176xf32, #tpu.memory_space<hbm>>) target_semaphore(%run_scoped3A : memref<!tpu.dma_semaphore, #tpu.memory_space<semaphore_mem>>)
        %dma_wait3A_95 = tpu.memref_slice %arg6[%mul3A_92] : memref<1605632xf32, #tpu.memory_space<hbm>> -> memref<50176xf32, #tpu.memory_space<hbm>>
        %dma_wait3A_96 = tpu.memref_slice %arg6[%mul3A_92] : memref<1605632xf32, #tpu.memory_space<hbm>> -> memref<50176xf32, #tpu.memory_space<hbm>>
        tpu.wait_dma2 semaphore(%run_scoped3A : memref<!tpu.dma_semaphore, #tpu.memory_space<semaphore_mem>>) src(%arg7 : memref<50176xf32, #tpu.memory_space<vmem>>) dst(%dma_wait3A_96 : memref<50176xf32, #tpu.memory_space<hbm>>)
        tpu.yield
      }) : () -> ()
    } else {
    }
    %eq3A_2 = arith.constant 1 : i32
    %eq3A_3 = arith.cmpi eq, %arg0, %eq3A_2 : i32
    %convert_element_type3A_4 = arith.extui %eq3A_3 : i1 to i32
    %cond3A_5 = arith.constant 0 : i32
    %cond3A_6 = arith.cmpi ne, %convert_element_type3A_4, %cond3A_5 : i32
    scf.if %cond3A_6 {
      %mul3A = arith.constant 50000 : i32
      %mul3A_7 = arith.muli %arg1, %mul3A : i32
      %dma_start3A = tpu.memref_slice %arg4[%mul3A_7] : memref<1600000xi32, #tpu.memory_space<hbm>> -> memref<10000xi32, #tpu.memory_space<hbm>>
      %dma_start3A_8 = tpu.memref_slice %arg4[%mul3A_7] : memref<1600000xi32, #tpu.memory_space<hbm>> -> memref<10000xi32, #tpu.memory_space<hbm>>
      tpu.enqueue_dma source(%dma_start3A_8 : memref<10000xi32, #tpu.memory_space<hbm>>) target(%arg8 : memref<10000xi32, #tpu.memory_space<vmem>>) target_semaphore(%arg12 : memref<!tpu.dma_semaphore, #tpu.memory_space<semaphore_mem>>)
      %dma_start3A_9 = tpu.memref_slice %arg5[%mul3A_7] : memref<800000xf32, #tpu.memory_space<hbm>> -> memref<10000xf32, #tpu.memory_space<hbm>>
      %dma_start3A_10 = tpu.memref_slice %arg5[%mul3A_7] : memref<800000xf32, #tpu.memory_space<hbm>> -> memref<10000xf32, #tpu.memory_space<hbm>>
      tpu.enqueue_dma source(%dma_start3A_10 : memref<10000xf32, #tpu.memory_space<hbm>>) target(%arg9 : memref<10000xf32, #tpu.memory_space<vmem>>) target_semaphore(%arg12 : memref<!tpu.dma_semaphore, #tpu.memory_space<semaphore_mem>>)
      %scan3A = arith.constant 0 : i32
      %scan3A_11 = arith.constant 0 : i32
      %scan3A_12 = arith.constant 3136 : i32
      %scan3A_13 = arith.addi %scan3A_11, %scan3A_12 : i32
      %scan3A_14 = arith.constant 8 : i32
      scf.for %scan3A_93 = %scan3A_11 to %scan3A_13 step %scan3A_14  : i32 {
        %broadcast_in_dim3A = arith.constant 0.000000e+00 : f32
        %broadcast_in_dim3A_94 = vector.broadcast %broadcast_in_dim3A : f32 to vector<16xf32>
        %mul3A_95 = arith.constant 16 : i32
        %mul3A_96 = arith.muli %scan3A_93, %mul3A_95 : i32
        %swap3A = arith.index_cast %mul3A_96 : i32 to index
        %swap3A_97 = tpu.vector_load %arg7[%swap3A] {strides = array<i32>} : memref<50176xf32, #tpu.memory_space<vmem>>, vector<16xf32>,
        tpu.vector_store %arg7[%swap3A], %broadcast_in_dim3A_94 {strides = array<i32>} : memref<50176xf32, #tpu.memory_space<vmem>>, vector<16xf32>,
        %scan3A_98 = arith.constant 1 : i32
        %scan3A_99 = arith.addi %scan3A_93, %scan3A_98 : i32
        %broadcast_in_dim3A_100 = arith.constant 0.000000e+00 : f32
        %broadcast_in_dim3A_101 = vector.broadcast %broadcast_in_dim3A_100 : f32 to vector<16xf32>
        %mul3A_102 = arith.constant 16 : i32
        %mul3A_103 = arith.muli %scan3A_99, %mul3A_102 : i32
        %swap3A_104 = arith.index_cast %mul3A_103 : i32 to index
        %swap3A_105 = tpu.vector_load %arg7[%swap3A_104] {strides = array<i32>} : memref<50176xf32, #tpu.memory_space<vmem>>, vector<16xf32>,
        tpu.vector_store %arg7[%swap3A_104], %broadcast_in_dim3A_101 {strides = array<i32>} : memref<50176xf32, #tpu.memory_space<vmem>>, vector<16xf32>,
        %scan3A_106 = arith.constant 2 : i32
        %scan3A_107 = arith.addi %scan3A_93, %scan3A_106 : i32
        %broadcast_in_dim3A_108 = arith.constant 0.000000e+00 : f32
        %broadcast_in_dim3A_109 = vector.broadcast %broadcast_in_dim3A_108 : f32 to vector<16xf32>
        %mul3A_110 = arith.constant 16 : i32
        %mul3A_111 = arith.muli %scan3A_107, %mul3A_110 : i32
        %swap3A_112 = arith.index_cast %mul3A_111 : i32 to index
        %swap3A_113 = tpu.vector_load %arg7[%swap3A_112] {strides = array<i32>} : memref<50176xf32, #tpu.memory_space<vmem>>, vector<16xf32>,
        tpu.vector_store %arg7[%swap3A_112], %broadcast_in_dim3A_109 {strides = array<i32>} : memref<50176xf32, #tpu.memory_space<vmem>>, vector<16xf32>,
        %scan3A_114 = arith.constant 3 : i32
        %scan3A_115 = arith.addi %scan3A_93, %scan3A_114 : i32
        %broadcast_in_dim3A_116 = arith.constant 0.000000e+00 : f32
        %broadcast_in_dim3A_117 = vector.broadcast %broadcast_in_dim3A_116 : f32 to vector<16xf32>
        %mul3A_118 = arith.constant 16 : i32
        %mul3A_119 = arith.muli %scan3A_115, %mul3A_118 : i32
        %swap3A_120 = arith.index_cast %mul3A_119 : i32 to index
        %swap3A_121 = tpu.vector_load %arg7[%swap3A_120] {strides = array<i32>} : memref<50176xf32, #tpu.memory_space<vmem>>, vector<16xf32>,
        tpu.vector_store %arg7[%swap3A_120], %broadcast_in_dim3A_117 {strides = array<i32>} : memref<50176xf32, #tpu.memory_space<vmem>>, vector<16xf32>,
        %scan3A_122 = arith.constant 4 : i32
        %scan3A_123 = arith.addi %scan3A_93, %scan3A_122 : i32
        %broadcast_in_dim3A_124 = arith.constant 0.000000e+00 : f32
        %broadcast_in_dim3A_125 = vector.broadcast %broadcast_in_dim3A_124 : f32 to vector<16xf32>
        %mul3A_126 = arith.constant 16 : i32
        %mul3A_127 = arith.muli %scan3A_123, %mul3A_126 : i32
        %swap3A_128 = arith.index_cast %mul3A_127 : i32 to index
        %swap3A_129 = tpu.vector_load %arg7[%swap3A_128] {strides = array<i32>} : memref<50176xf32, #tpu.memory_space<vmem>>, vector<16xf32>,
        tpu.vector_store %arg7[%swap3A_128], %broadcast_in_dim3A_125 {strides = array<i32>} : memref<50176xf32, #tpu.memory_space<vmem>>, vector<16xf32>,
        %scan3A_130 = arith.constant 5 : i32
        %scan3A_131 = arith.addi %scan3A_93, %scan3A_130 : i32
        %broadcast_in_dim3A_132 = arith.constant 0.000000e+00 : f32
        %broadcast_in_dim3A_133 = vector.broadcast %broadcast_in_dim3A_132 : f32 to vector<16xf32>
        %mul3A_134 = arith.constant 16 : i32
        %mul3A_135 = arith.muli %scan3A_131, %mul3A_134 : i32
        %swap3A_136 = arith.index_cast %mul3A_135 : i32 to index
        %swap3A_137 = tpu.vector_load %arg7[%swap3A_136] {strides = array<i32>} : memref<50176xf32, #tpu.memory_space<vmem>>, vector<16xf32>,
        tpu.vector_store %arg7[%swap3A_136], %broadcast_in_dim3A_133 {strides = array<i32>} : memref<50176xf32, #tpu.memory_space<vmem>>, vector<16xf32>,
        %scan3A_138 = arith.constant 6 : i32
        %scan3A_139 = arith.addi %scan3A_93, %scan3A_138 : i32
        %broadcast_in_dim3A_140 = arith.constant 0.000000e+00 : f32
        %broadcast_in_dim3A_141 = vector.broadcast %broadcast_in_dim3A_140 : f32 to vector<16xf32>
        %mul3A_142 = arith.constant 16 : i32
        %mul3A_143 = arith.muli %scan3A_139, %mul3A_142 : i32
        %swap3A_144 = arith.index_cast %mul3A_143 : i32 to index
        %swap3A_145 = tpu.vector_load %arg7[%swap3A_144] {strides = array<i32>} : memref<50176xf32, #tpu.memory_space<vmem>>, vector<16xf32>,
        tpu.vector_store %arg7[%swap3A_144], %broadcast_in_dim3A_141 {strides = array<i32>} : memref<50176xf32, #tpu.memory_space<vmem>>, vector<16xf32>,
        %scan3A_146 = arith.constant 7 : i32
        %scan3A_147 = arith.addi %scan3A_93, %scan3A_146 : i32
        %broadcast_in_dim3A_148 = arith.constant 0.000000e+00 : f32
        %broadcast_in_dim3A_149 = vector.broadcast %broadcast_in_dim3A_148 : f32 to vector<16xf32>
        %mul3A_150 = arith.constant 16 : i32
        %mul3A_151 = arith.muli %scan3A_147, %mul3A_150 : i32
        %swap3A_152 = arith.index_cast %mul3A_151 : i32 to index
        %swap3A_153 = tpu.vector_load %arg7[%swap3A_152] {strides = array<i32>} : memref<50176xf32, #tpu.memory_space<vmem>>, vector<16xf32>,
        tpu.vector_store %arg7[%swap3A_152], %broadcast_in_dim3A_149 {strides = array<i32>} : memref<50176xf32, #tpu.memory_space<vmem>>, vector<16xf32>,
      }
      %scan3A_15 = arith.constant 3136 : i32
      %dma_wait3A = tpu.memref_slice %arg4[%mul3A_7] : memref<1600000xi32, #tpu.memory_space<hbm>> -> memref<10000xi32, #tpu.memory_space<hbm>>
      %dma_wait3A_16 = tpu.memref_slice %arg4[%mul3A_7] : memref<1600000xi32, #tpu.memory_space<hbm>> -> memref<10000xi32, #tpu.memory_space<hbm>>
      tpu.wait_dma2 semaphore(%arg12 : memref<!tpu.dma_semaphore, #tpu.memory_space<semaphore_mem>>) src(%dma_wait3A_16 : memref<10000xi32, #tpu.memory_space<hbm>>) dst(%arg8 : memref<10000xi32, #tpu.memory_space<vmem>>)
      %dma_wait3A_17 = tpu.memref_slice %arg5[%mul3A_7] : memref<800000xf32, #tpu.memory_space<hbm>> -> memref<10000xf32, #tpu.memory_space<hbm>>
      %dma_wait3A_18 = tpu.memref_slice %arg5[%mul3A_7] : memref<800000xf32, #tpu.memory_space<hbm>> -> memref<10000xf32, #tpu.memory_space<hbm>>
      tpu.wait_dma2 semaphore(%arg12 : memref<!tpu.dma_semaphore, #tpu.memory_space<semaphore_mem>>) src(%dma_wait3A_18 : memref<10000xf32, #tpu.memory_space<hbm>>) dst(%arg9 : memref<10000xf32, #tpu.memory_space<vmem>>)
      %add3A = arith.constant 10000 : i32
      %add3A_19 = arith.addi %mul3A_7, %add3A : i32
      %dma_start3A_20 = tpu.memref_slice %arg4[%add3A_19] : memref<1600000xi32, #tpu.memory_space<hbm>> -> memref<10000xi32, #tpu.memory_space<hbm>>
      %dma_start3A_21 = tpu.memref_slice %arg4[%add3A_19] : memref<1600000xi32, #tpu.memory_space<hbm>> -> memref<10000xi32, #tpu.memory_space<hbm>>
      tpu.enqueue_dma source(%dma_start3A_21 : memref<10000xi32, #tpu.memory_space<hbm>>) target(%arg10 : memref<10000xi32, #tpu.memory_space<vmem>>) target_semaphore(%arg12 : memref<!tpu.dma_semaphore, #tpu.memory_space<semaphore_mem>>)
      %dma_start3A_22 = tpu.memref_slice %arg5[%add3A_19] : memref<800000xf32, #tpu.memory_space<hbm>> -> memref<10000xf32, #tpu.memory_space<hbm>>
      %dma_start3A_23 = tpu.memref_slice %arg5[%add3A_19] : memref<800000xf32, #tpu.memory_space<hbm>> -> memref<10000xf32, #tpu.memory_space<hbm>>
      tpu.enqueue_dma source(%dma_start3A_23 : memref<10000xf32, #tpu.memory_space<hbm>>) target(%arg11 : memref<10000xf32, #tpu.memory_space<vmem>>) target_semaphore(%arg12 : memref<!tpu.dma_semaphore, #tpu.memory_space<semaphore_mem>>)
      %scan3A_24 = arith.constant 0 : i32
      %scan3A_25 = arith.constant 0 : i32
      %scan3A_26 = arith.constant 625 : i32
      %scan3A_27 = arith.addi %scan3A_25, %scan3A_26 : i32
      %scan3A_28 = arith.constant 5 : i32
      scf.for %scan3A_93 = %scan3A_25 to %scan3A_27 step %scan3A_28  : i32 {
        %mul3A_94 = arith.constant 16 : i32
        %mul3A_95 = arith.muli %scan3A_93, %mul3A_94 : i32
        %get3A = arith.index_cast %mul3A_95 : i32 to index
        %get3A_96 = tpu.vector_load %arg8[%get3A] {strides = array<i32>} : memref<10000xi32, #tpu.memory_space<vmem>>, vector<16xi32>,
        %mul3A_97 = arith.constant 16 : i32
        %mul3A_98 = arith.muli %scan3A_93, %mul3A_97 : i32
        %get3A_99 = arith.index_cast %mul3A_98 : i32 to index
        %get3A_100 = tpu.vector_load %arg9[%get3A_99] {strides = array<i32>} : memref<10000xf32, #tpu.memory_space<vmem>>, vector<16xf32>,
        tpu.vector_store_idx %arg7[%get3A_96], %get3A_100 {add = true} : memref<50176xf32, #tpu.memory_space<vmem>>[vector<16xi32>], vector<16xf32>,
        %scan3A_101 = arith.constant 1 : i32
        %scan3A_102 = arith.addi %scan3A_93, %scan3A_101 : i32
        %mul3A_103 = arith.constant 16 : i32
        %mul3A_104 = arith.muli %scan3A_102, %mul3A_103 : i32
        %get3A_105 = arith.index_cast %mul3A_104 : i32 to index
        %get3A_106 = tpu.vector_load %arg8[%get3A_105] {strides = array<i32>} : memref<10000xi32, #tpu.memory_space<vmem>>, vector<16xi32>,
        %mul3A_107 = arith.constant 16 : i32
        %mul3A_108 = arith.muli %scan3A_102, %mul3A_107 : i32
        %get3A_109 = arith.index_cast %mul3A_108 : i32 to index
        %get3A_110 = tpu.vector_load %arg9[%get3A_109] {strides = array<i32>} : memref<10000xf32, #tpu.memory_space<vmem>>, vector<16xf32>,
        tpu.vector_store_idx %arg7[%get3A_106], %get3A_110 {add = true} : memref<50176xf32, #tpu.memory_space<vmem>>[vector<16xi32>], vector<16xf32>,
        %scan3A_111 = arith.constant 2 : i32
        %scan3A_112 = arith.addi %scan3A_93, %scan3A_111 : i32
        %mul3A_113 = arith.constant 16 : i32
        %mul3A_114 = arith.muli %scan3A_112, %mul3A_113 : i32
        %get3A_115 = arith.index_cast %mul3A_114 : i32 to index
        %get3A_116 = tpu.vector_load %arg8[%get3A_115] {strides = array<i32>} : memref<10000xi32, #tpu.memory_space<vmem>>, vector<16xi32>,
        %mul3A_117 = arith.constant 16 : i32
        %mul3A_118 = arith.muli %scan3A_112, %mul3A_117 : i32
        %get3A_119 = arith.index_cast %mul3A_118 : i32 to index
        %get3A_120 = tpu.vector_load %arg9[%get3A_119] {strides = array<i32>} : memref<10000xf32, #tpu.memory_space<vmem>>, vector<16xf32>,
        tpu.vector_store_idx %arg7[%get3A_116], %get3A_120 {add = true} : memref<50176xf32, #tpu.memory_space<vmem>>[vector<16xi32>], vector<16xf32>,
        %scan3A_121 = arith.constant 3 : i32
        %scan3A_122 = arith.addi %scan3A_93, %scan3A_121 : i32
        %mul3A_123 = arith.constant 16 : i32
        %mul3A_124 = arith.muli %scan3A_122, %mul3A_123 : i32
        %get3A_125 = arith.index_cast %mul3A_124 : i32 to index
        %get3A_126 = tpu.vector_load %arg8[%get3A_125] {strides = array<i32>} : memref<10000xi32, #tpu.memory_space<vmem>>, vector<16xi32>,
        %mul3A_127 = arith.constant 16 : i32
        %mul3A_128 = arith.muli %scan3A_122, %mul3A_127 : i32
        %get3A_129 = arith.index_cast %mul3A_128 : i32 to index
        %get3A_130 = tpu.vector_load %arg9[%get3A_129] {strides = array<i32>} : memref<10000xf32, #tpu.memory_space<vmem>>, vector<16xf32>,
        tpu.vector_store_idx %arg7[%get3A_126], %get3A_130 {add = true} : memref<50176xf32, #tpu.memory_space<vmem>>[vector<16xi32>], vector<16xf32>,
        %scan3A_131 = arith.constant 4 : i32
        %scan3A_132 = arith.addi %scan3A_93, %scan3A_131 : i32
        %mul3A_133 = arith.constant 16 : i32
        %mul3A_134 = arith.muli %scan3A_132, %mul3A_133 : i32
        %get3A_135 = arith.index_cast %mul3A_134 : i32 to index
        %get3A_136 = tpu.vector_load %arg8[%get3A_135] {strides = array<i32>} : memref<10000xi32, #tpu.memory_space<vmem>>, vector<16xi32>,
        %mul3A_137 = arith.constant 16 : i32
        %mul3A_138 = arith.muli %scan3A_132, %mul3A_137 : i32
        %get3A_139 = arith.index_cast %mul3A_138 : i32 to index
        %get3A_140 = tpu.vector_load %arg9[%get3A_139] {strides = array<i32>} : memref<10000xf32, #tpu.memory_space<vmem>>, vector<16xf32>,
        tpu.vector_store_idx %arg7[%get3A_136], %get3A_140 {add = true} : memref<50176xf32, #tpu.memory_space<vmem>>[vector<16xi32>], vector<16xf32>,
      }
      %scan3A_29 = arith.constant 625 : i32
      %dma_wait3A_30 = tpu.memref_slice %arg4[%add3A_19] : memref<1600000xi32, #tpu.memory_space<hbm>> -> memref<10000xi32, #tpu.memory_space<hbm>>
      %dma_wait3A_31 = tpu.memref_slice %arg4[%add3A_19] : memref<1600000xi32, #tpu.memory_space<hbm>> -> memref<10000xi32, #tpu.memory_space<hbm>>
      tpu.wait_dma2 semaphore(%arg12 : memref<!tpu.dma_semaphore, #tpu.memory_space<semaphore_mem>>) src(%dma_wait3A_31 : memref<10000xi32, #tpu.memory_space<hbm>>) dst(%arg10 : memref<10000xi32, #tpu.memory_space<vmem>>)
      %dma_wait3A_32 = tpu.memref_slice %arg5[%add3A_19] : memref<800000xf32, #tpu.memory_space<hbm>> -> memref<10000xf32, #tpu.memory_space<hbm>>
      %dma_wait3A_33 = tpu.memref_slice %arg5[%add3A_19] : memref<800000xf32, #tpu.memory_space<hbm>> -> memref<10000xf32, #tpu.memory_space<hbm>>
      tpu.wait_dma2 semaphore(%arg12 : memref<!tpu.dma_semaphore, #tpu.memory_space<semaphore_mem>>) src(%dma_wait3A_33 : memref<10000xf32, #tpu.memory_space<hbm>>) dst(%arg11 : memref<10000xf32, #tpu.memory_space<vmem>>)
      %add3A_34 = arith.constant 20000 : i32
      %add3A_35 = arith.addi %mul3A_7, %add3A_34 : i32
      %dma_start3A_36 = tpu.memref_slice %arg4[%add3A_35] : memref<1600000xi32, #tpu.memory_space<hbm>> -> memref<10000xi32, #tpu.memory_space<hbm>>
      %dma_start3A_37 = tpu.memref_slice %arg4[%add3A_35] : memref<1600000xi32, #tpu.memory_space<hbm>> -> memref<10000xi32, #tpu.memory_space<hbm>>
      tpu.enqueue_dma source(%dma_start3A_37 : memref<10000xi32, #tpu.memory_space<hbm>>) target(%arg8 : memref<10000xi32, #tpu.memory_space<vmem>>) target_semaphore(%arg12 : memref<!tpu.dma_semaphore, #tpu.memory_space<semaphore_mem>>)
      %dma_start3A_38 = tpu.memref_slice %arg5[%add3A_35] : memref<800000xf32, #tpu.memory_space<hbm>> -> memref<10000xf32, #tpu.memory_space<hbm>>
      %dma_start3A_39 = tpu.memref_slice %arg5[%add3A_35] : memref<800000xf32, #tpu.memory_space<hbm>> -> memref<10000xf32, #tpu.memory_space<hbm>>
      tpu.enqueue_dma source(%dma_start3A_39 : memref<10000xf32, #tpu.memory_space<hbm>>) target(%arg9 : memref<10000xf32, #tpu.memory_space<vmem>>) target_semaphore(%arg12 : memref<!tpu.dma_semaphore, #tpu.memory_space<semaphore_mem>>)
      %scan3A_40 = arith.constant 0 : i32
      %scan3A_41 = arith.constant 0 : i32
      %scan3A_42 = arith.constant 625 : i32
      %scan3A_43 = arith.addi %scan3A_41, %scan3A_42 : i32
      %scan3A_44 = arith.constant 5 : i32
      scf.for %scan3A_93 = %scan3A_41 to %scan3A_43 step %scan3A_44  : i32 {
        %mul3A_94 = arith.constant 16 : i32
        %mul3A_95 = arith.muli %scan3A_93, %mul3A_94 : i32
        %get3A = arith.index_cast %mul3A_95 : i32 to index
        %get3A_96 = tpu.vector_load %arg10[%get3A] {strides = array<i32>} : memref<10000xi32, #tpu.memory_space<vmem>>, vector<16xi32>,
        %mul3A_97 = arith.constant 16 : i32
        %mul3A_98 = arith.muli %scan3A_93, %mul3A_97 : i32
        %get3A_99 = arith.index_cast %mul3A_98 : i32 to index
        %get3A_100 = tpu.vector_load %arg11[%get3A_99] {strides = array<i32>} : memref<10000xf32, #tpu.memory_space<vmem>>, vector<16xf32>,
        tpu.vector_store_idx %arg7[%get3A_96], %get3A_100 {add = true} : memref<50176xf32, #tpu.memory_space<vmem>>[vector<16xi32>], vector<16xf32>,
        %scan3A_101 = arith.constant 1 : i32
        %scan3A_102 = arith.addi %scan3A_93, %scan3A_101 : i32
        %mul3A_103 = arith.constant 16 : i32
        %mul3A_104 = arith.muli %scan3A_102, %mul3A_103 : i32
        %get3A_105 = arith.index_cast %mul3A_104 : i32 to index
        %get3A_106 = tpu.vector_load %arg10[%get3A_105] {strides = array<i32>} : memref<10000xi32, #tpu.memory_space<vmem>>, vector<16xi32>,
        %mul3A_107 = arith.constant 16 : i32
        %mul3A_108 = arith.muli %scan3A_102, %mul3A_107 : i32
        %get3A_109 = arith.index_cast %mul3A_108 : i32 to index
        %get3A_110 = tpu.vector_load %arg11[%get3A_109] {strides = array<i32>} : memref<10000xf32, #tpu.memory_space<vmem>>, vector<16xf32>,
        tpu.vector_store_idx %arg7[%get3A_106], %get3A_110 {add = true} : memref<50176xf32, #tpu.memory_space<vmem>>[vector<16xi32>], vector<16xf32>,
        %scan3A_111 = arith.constant 2 : i32
        %scan3A_112 = arith.addi %scan3A_93, %scan3A_111 : i32
        %mul3A_113 = arith.constant 16 : i32
        %mul3A_114 = arith.muli %scan3A_112, %mul3A_113 : i32
        %get3A_115 = arith.index_cast %mul3A_114 : i32 to index
        %get3A_116 = tpu.vector_load %arg10[%get3A_115] {strides = array<i32>} : memref<10000xi32, #tpu.memory_space<vmem>>, vector<16xi32>,
        %mul3A_117 = arith.constant 16 : i32
        %mul3A_118 = arith.muli %scan3A_112, %mul3A_117 : i32
        %get3A_119 = arith.index_cast %mul3A_118 : i32 to index
        %get3A_120 = tpu.vector_load %arg11[%get3A_119] {strides = array<i32>} : memref<10000xf32, #tpu.memory_space<vmem>>, vector<16xf32>,
        tpu.vector_store_idx %arg7[%get3A_116], %get3A_120 {add = true} : memref<50176xf32, #tpu.memory_space<vmem>>[vector<16xi32>], vector<16xf32>,
        %scan3A_121 = arith.constant 3 : i32
        %scan3A_122 = arith.addi %scan3A_93, %scan3A_121 : i32
        %mul3A_123 = arith.constant 16 : i32
        %mul3A_124 = arith.muli %scan3A_122, %mul3A_123 : i32
        %get3A_125 = arith.index_cast %mul3A_124 : i32 to index
        %get3A_126 = tpu.vector_load %arg10[%get3A_125] {strides = array<i32>} : memref<10000xi32, #tpu.memory_space<vmem>>, vector<16xi32>,
        %mul3A_127 = arith.constant 16 : i32
        %mul3A_128 = arith.muli %scan3A_122, %mul3A_127 : i32
        %get3A_129 = arith.index_cast %mul3A_128 : i32 to index
        %get3A_130 = tpu.vector_load %arg11[%get3A_129] {strides = array<i32>} : memref<10000xf32, #tpu.memory_space<vmem>>, vector<16xf32>,
        tpu.vector_store_idx %arg7[%get3A_126], %get3A_130 {add = true} : memref<50176xf32, #tpu.memory_space<vmem>>[vector<16xi32>], vector<16xf32>,
        %scan3A_131 = arith.constant 4 : i32
        %scan3A_132 = arith.addi %scan3A_93, %scan3A_131 : i32
        %mul3A_133 = arith.constant 16 : i32
        %mul3A_134 = arith.muli %scan3A_132, %mul3A_133 : i32
        %get3A_135 = arith.index_cast %mul3A_134 : i32 to index
        %get3A_136 = tpu.vector_load %arg10[%get3A_135] {strides = array<i32>} : memref<10000xi32, #tpu.memory_space<vmem>>, vector<16xi32>,
        %mul3A_137 = arith.constant 16 : i32
        %mul3A_138 = arith.muli %scan3A_132, %mul3A_137 : i32
        %get3A_139 = arith.index_cast %mul3A_138 : i32 to index
        %get3A_140 = tpu.vector_load %arg11[%get3A_139] {strides = array<i32>} : memref<10000xf32, #tpu.memory_space<vmem>>, vector<16xf32>,
        tpu.vector_store_idx %arg7[%get3A_136], %get3A_140 {add = true} : memref<50176xf32, #tpu.memory_space<vmem>>[vector<16xi32>], vector<16xf32>,
      }
      %scan3A_45 = arith.constant 625 : i32
      %dma_wait3A_46 = tpu.memref_slice %arg4[%add3A_35] : memref<1600000xi32, #tpu.memory_space<hbm>> -> memref<10000xi32, #tpu.memory_space<hbm>>
      %dma_wait3A_47 = tpu.memref_slice %arg4[%add3A_35] : memref<1600000xi32, #tpu.memory_space<hbm>> -> memref<10000xi32, #tpu.memory_space<hbm>>
      tpu.wait_dma2 semaphore(%arg12 : memref<!tpu.dma_semaphore, #tpu.memory_space<semaphore_mem>>) src(%dma_wait3A_47 : memref<10000xi32, #tpu.memory_space<hbm>>) dst(%arg8 : memref<10000xi32, #tpu.memory_space<vmem>>)
      %dma_wait3A_48 = tpu.memref_slice %arg5[%add3A_35] : memref<800000xf32, #tpu.memory_space<hbm>> -> memref<10000xf32, #tpu.memory_space<hbm>>
      %dma_wait3A_49 = tpu.memref_slice %arg5[%add3A_35] : memref<800000xf32, #tpu.memory_space<hbm>> -> memref<10000xf32, #tpu.memory_space<hbm>>
      tpu.wait_dma2 semaphore(%arg12 : memref<!tpu.dma_semaphore, #tpu.memory_space<semaphore_mem>>) src(%dma_wait3A_49 : memref<10000xf32, #tpu.memory_space<hbm>>) dst(%arg9 : memref<10000xf32, #tpu.memory_space<vmem>>)
      %add3A_50 = arith.constant 30000 : i32
      %add3A_51 = arith.addi %mul3A_7, %add3A_50 : i32
      %dma_start3A_52 = tpu.memref_slice %arg4[%add3A_51] : memref<1600000xi32, #tpu.memory_space<hbm>> -> memref<10000xi32, #tpu.memory_space<hbm>>
      %dma_start3A_53 = tpu.memref_slice %arg4[%add3A_51] : memref<1600000xi32, #tpu.memory_space<hbm>> -> memref<10000xi32, #tpu.memory_space<hbm>>
      tpu.enqueue_dma source(%dma_start3A_53 : memref<10000xi32, #tpu.memory_space<hbm>>) target(%arg10 : memref<10000xi32, #tpu.memory_space<vmem>>) target_semaphore(%arg12 : memref<!tpu.dma_semaphore, #tpu.memory_space<semaphore_mem>>)
      %dma_start3A_54 = tpu.memref_slice %arg5[%add3A_51] : memref<800000xf32, #tpu.memory_space<hbm>> -> memref<10000xf32, #tpu.memory_space<hbm>>
      %dma_start3A_55 = tpu.memref_slice %arg5[%add3A_51] : memref<800000xf32, #tpu.memory_space<hbm>> -> memref<10000xf32, #tpu.memory_space<hbm>>
      tpu.enqueue_dma source(%dma_start3A_55 : memref<10000xf32, #tpu.memory_space<hbm>>) target(%arg11 : memref<10000xf32, #tpu.memory_space<vmem>>) target_semaphore(%arg12 : memref<!tpu.dma_semaphore, #tpu.memory_space<semaphore_mem>>)
      %scan3A_56 = arith.constant 0 : i32
      %scan3A_57 = arith.constant 0 : i32
      %scan3A_58 = arith.constant 625 : i32
      %scan3A_59 = arith.addi %scan3A_57, %scan3A_58 : i32
      %scan3A_60 = arith.constant 5 : i32
      scf.for %scan3A_93 = %scan3A_57 to %scan3A_59 step %scan3A_60  : i32 {
        %mul3A_94 = arith.constant 16 : i32
        %mul3A_95 = arith.muli %scan3A_93, %mul3A_94 : i32
        %get3A = arith.index_cast %mul3A_95 : i32 to index
        %get3A_96 = tpu.vector_load %arg8[%get3A] {strides = array<i32>} : memref<10000xi32, #tpu.memory_space<vmem>>, vector<16xi32>,
        %mul3A_97 = arith.constant 16 : i32
        %mul3A_98 = arith.muli %scan3A_93, %mul3A_97 : i32
        %get3A_99 = arith.index_cast %mul3A_98 : i32 to index
        %get3A_100 = tpu.vector_load %arg9[%get3A_99] {strides = array<i32>} : memref<10000xf32, #tpu.memory_space<vmem>>, vector<16xf32>,
        tpu.vector_store_idx %arg7[%get3A_96], %get3A_100 {add = true} : memref<50176xf32, #tpu.memory_space<vmem>>[vector<16xi32>], vector<16xf32>,
        %scan3A_101 = arith.constant 1 : i32
        %scan3A_102 = arith.addi %scan3A_93, %scan3A_101 : i32
        %mul3A_103 = arith.constant 16 : i32
        %mul3A_104 = arith.muli %scan3A_102, %mul3A_103 : i32
        %get3A_105 = arith.index_cast %mul3A_104 : i32 to index
        %get3A_106 = tpu.vector_load %arg8[%get3A_105] {strides = array<i32>} : memref<10000xi32, #tpu.memory_space<vmem>>, vector<16xi32>,
        %mul3A_107 = arith.constant 16 : i32
        %mul3A_108 = arith.muli %scan3A_102, %mul3A_107 : i32
        %get3A_109 = arith.index_cast %mul3A_108 : i32 to index
        %get3A_110 = tpu.vector_load %arg9[%get3A_109] {strides = array<i32>} : memref<10000xf32, #tpu.memory_space<vmem>>, vector<16xf32>,
        tpu.vector_store_idx %arg7[%get3A_106], %get3A_110 {add = true} : memref<50176xf32, #tpu.memory_space<vmem>>[vector<16xi32>], vector<16xf32>,
        %scan3A_111 = arith.constant 2 : i32
        %scan3A_112 = arith.addi %scan3A_93, %scan3A_111 : i32
        %mul3A_113 = arith.constant 16 : i32
        %mul3A_114 = arith.muli %scan3A_112, %mul3A_113 : i32
        %get3A_115 = arith.index_cast %mul3A_114 : i32 to index
        %get3A_116 = tpu.vector_load %arg8[%get3A_115] {strides = array<i32>} : memref<10000xi32, #tpu.memory_space<vmem>>, vector<16xi32>,
        %mul3A_117 = arith.constant 16 : i32
        %mul3A_118 = arith.muli %scan3A_112, %mul3A_117 : i32
        %get3A_119 = arith.index_cast %mul3A_118 : i32 to index
        %get3A_120 = tpu.vector_load %arg9[%get3A_119] {strides = array<i32>} : memref<10000xf32, #tpu.memory_space<vmem>>, vector<16xf32>,
        tpu.vector_store_idx %arg7[%get3A_116], %get3A_120 {add = true} : memref<50176xf32, #tpu.memory_space<vmem>>[vector<16xi32>], vector<16xf32>,
        %scan3A_121 = arith.constant 3 : i32
        %scan3A_122 = arith.addi %scan3A_93, %scan3A_121 : i32
        %mul3A_123 = arith.constant 16 : i32
        %mul3A_124 = arith.muli %scan3A_122, %mul3A_123 : i32
        %get3A_125 = arith.index_cast %mul3A_124 : i32 to index
        %get3A_126 = tpu.vector_load %arg8[%get3A_125] {strides = array<i32>} : memref<10000xi32, #tpu.memory_space<vmem>>, vector<16xi32>,
        %mul3A_127 = arith.constant 16 : i32
        %mul3A_128 = arith.muli %scan3A_122, %mul3A_127 : i32
        %get3A_129 = arith.index_cast %mul3A_128 : i32 to index
        %get3A_130 = tpu.vector_load %arg9[%get3A_129] {strides = array<i32>} : memref<10000xf32, #tpu.memory_space<vmem>>, vector<16xf32>,
        tpu.vector_store_idx %arg7[%get3A_126], %get3A_130 {add = true} : memref<50176xf32, #tpu.memory_space<vmem>>[vector<16xi32>], vector<16xf32>,
        %scan3A_131 = arith.constant 4 : i32
        %scan3A_132 = arith.addi %scan3A_93, %scan3A_131 : i32
        %mul3A_133 = arith.constant 16 : i32
        %mul3A_134 = arith.muli %scan3A_132, %mul3A_133 : i32
        %get3A_135 = arith.index_cast %mul3A_134 : i32 to index
        %get3A_136 = tpu.vector_load %arg8[%get3A_135] {strides = array<i32>} : memref<10000xi32, #tpu.memory_space<vmem>>, vector<16xi32>,
        %mul3A_137 = arith.constant 16 : i32
        %mul3A_138 = arith.muli %scan3A_132, %mul3A_137 : i32
        %get3A_139 = arith.index_cast %mul3A_138 : i32 to index
        %get3A_140 = tpu.vector_load %arg9[%get3A_139] {strides = array<i32>} : memref<10000xf32, #tpu.memory_space<vmem>>, vector<16xf32>,
        tpu.vector_store_idx %arg7[%get3A_136], %get3A_140 {add = true} : memref<50176xf32, #tpu.memory_space<vmem>>[vector<16xi32>], vector<16xf32>,
      }
      %scan3A_61 = arith.constant 625 : i32
      %dma_wait3A_62 = tpu.memref_slice %arg4[%add3A_51] : memref<1600000xi32, #tpu.memory_space<hbm>> -> memref<10000xi32, #tpu.memory_space<hbm>>
      %dma_wait3A_63 = tpu.memref_slice %arg4[%add3A_51] : memref<1600000xi32, #tpu.memory_space<hbm>> -> memref<10000xi32, #tpu.memory_space<hbm>>
      tpu.wait_dma2 semaphore(%arg12 : memref<!tpu.dma_semaphore, #tpu.memory_space<semaphore_mem>>) src(%dma_wait3A_63 : memref<10000xi32, #tpu.memory_space<hbm>>) dst(%arg10 : memref<10000xi32, #tpu.memory_space<vmem>>)
      %dma_wait3A_64 = tpu.memref_slice %arg5[%add3A_51] : memref<800000xf32, #tpu.memory_space<hbm>> -> memref<10000xf32, #tpu.memory_space<hbm>>
      %dma_wait3A_65 = tpu.memref_slice %arg5[%add3A_51] : memref<800000xf32, #tpu.memory_space<hbm>> -> memref<10000xf32, #tpu.memory_space<hbm>>
      tpu.wait_dma2 semaphore(%arg12 : memref<!tpu.dma_semaphore, #tpu.memory_space<semaphore_mem>>) src(%dma_wait3A_65 : memref<10000xf32, #tpu.memory_space<hbm>>) dst(%arg11 : memref<10000xf32, #tpu.memory_space<vmem>>)
      %add3A_66 = arith.constant 40000 : i32
      %add3A_67 = arith.addi %mul3A_7, %add3A_66 : i32
      %dma_start3A_68 = tpu.memref_slice %arg4[%add3A_67] : memref<1600000xi32, #tpu.memory_space<hbm>> -> memref<10000xi32, #tpu.memory_space<hbm>>
      %dma_start3A_69 = tpu.memref_slice %arg4[%add3A_67] : memref<1600000xi32, #tpu.memory_space<hbm>> -> memref<10000xi32, #tpu.memory_space<hbm>>
      tpu.enqueue_dma source(%dma_start3A_69 : memref<10000xi32, #tpu.memory_space<hbm>>) target(%arg8 : memref<10000xi32, #tpu.memory_space<vmem>>) target_semaphore(%arg12 : memref<!tpu.dma_semaphore, #tpu.memory_space<semaphore_mem>>)
      %dma_start3A_70 = tpu.memref_slice %arg5[%add3A_67] : memref<800000xf32, #tpu.memory_space<hbm>> -> memref<10000xf32, #tpu.memory_space<hbm>>
      %dma_start3A_71 = tpu.memref_slice %arg5[%add3A_67] : memref<800000xf32, #tpu.memory_space<hbm>> -> memref<10000xf32, #tpu.memory_space<hbm>>
      tpu.enqueue_dma source(%dma_start3A_71 : memref<10000xf32, #tpu.memory_space<hbm>>) target(%arg9 : memref<10000xf32, #tpu.memory_space<vmem>>) target_semaphore(%arg12 : memref<!tpu.dma_semaphore, #tpu.memory_space<semaphore_mem>>)
      %scan3A_72 = arith.constant 0 : i32
      %scan3A_73 = arith.constant 0 : i32
      %scan3A_74 = arith.constant 625 : i32
      %scan3A_75 = arith.addi %scan3A_73, %scan3A_74 : i32
      %scan3A_76 = arith.constant 5 : i32
      scf.for %scan3A_93 = %scan3A_73 to %scan3A_75 step %scan3A_76  : i32 {
        %mul3A_94 = arith.constant 16 : i32
        %mul3A_95 = arith.muli %scan3A_93, %mul3A_94 : i32
        %get3A = arith.index_cast %mul3A_95 : i32 to index
        %get3A_96 = tpu.vector_load %arg10[%get3A] {strides = array<i32>} : memref<10000xi32, #tpu.memory_space<vmem>>, vector<16xi32>,
        %mul3A_97 = arith.constant 16 : i32
        %mul3A_98 = arith.muli %scan3A_93, %mul3A_97 : i32
        %get3A_99 = arith.index_cast %mul3A_98 : i32 to index
        %get3A_100 = tpu.vector_load %arg11[%get3A_99] {strides = array<i32>} : memref<10000xf32, #tpu.memory_space<vmem>>, vector<16xf32>,
        tpu.vector_store_idx %arg7[%get3A_96], %get3A_100 {add = true} : memref<50176xf32, #tpu.memory_space<vmem>>[vector<16xi32>], vector<16xf32>,
        %scan3A_101 = arith.constant 1 : i32
        %scan3A_102 = arith.addi %scan3A_93, %scan3A_101 : i32
        %mul3A_103 = arith.constant 16 : i32
        %mul3A_104 = arith.muli %scan3A_102, %mul3A_103 : i32
        %get3A_105 = arith.index_cast %mul3A_104 : i32 to index
        %get3A_106 = tpu.vector_load %arg10[%get3A_105] {strides = array<i32>} : memref<10000xi32, #tpu.memory_space<vmem>>, vector<16xi32>,
        %mul3A_107 = arith.constant 16 : i32
        %mul3A_108 = arith.muli %scan3A_102, %mul3A_107 : i32
        %get3A_109 = arith.index_cast %mul3A_108 : i32 to index
        %get3A_110 = tpu.vector_load %arg11[%get3A_109] {strides = array<i32>} : memref<10000xf32, #tpu.memory_space<vmem>>, vector<16xf32>,
        tpu.vector_store_idx %arg7[%get3A_106], %get3A_110 {add = true} : memref<50176xf32, #tpu.memory_space<vmem>>[vector<16xi32>], vector<16xf32>,
        %scan3A_111 = arith.constant 2 : i32
        %scan3A_112 = arith.addi %scan3A_93, %scan3A_111 : i32
        %mul3A_113 = arith.constant 16 : i32
        %mul3A_114 = arith.muli %scan3A_112, %mul3A_113 : i32
        %get3A_115 = arith.index_cast %mul3A_114 : i32 to index
        %get3A_116 = tpu.vector_load %arg10[%get3A_115] {strides = array<i32>} : memref<10000xi32, #tpu.memory_space<vmem>>, vector<16xi32>,
        %mul3A_117 = arith.constant 16 : i32
        %mul3A_118 = arith.muli %scan3A_112, %mul3A_117 : i32
        %get3A_119 = arith.index_cast %mul3A_118 : i32 to index
        %get3A_120 = tpu.vector_load %arg11[%get3A_119] {strides = array<i32>} : memref<10000xf32, #tpu.memory_space<vmem>>, vector<16xf32>,
        tpu.vector_store_idx %arg7[%get3A_116], %get3A_120 {add = true} : memref<50176xf32, #tpu.memory_space<vmem>>[vector<16xi32>], vector<16xf32>,
        %scan3A_121 = arith.constant 3 : i32
        %scan3A_122 = arith.addi %scan3A_93, %scan3A_121 : i32
        %mul3A_123 = arith.constant 16 : i32
        %mul3A_124 = arith.muli %scan3A_122, %mul3A_123 : i32
        %get3A_125 = arith.index_cast %mul3A_124 : i32 to index
        %get3A_126 = tpu.vector_load %arg10[%get3A_125] {strides = array<i32>} : memref<10000xi32, #tpu.memory_space<vmem>>, vector<16xi32>,
        %mul3A_127 = arith.constant 16 : i32
        %mul3A_128 = arith.muli %scan3A_122, %mul3A_127 : i32
        %get3A_129 = arith.index_cast %mul3A_128 : i32 to index
        %get3A_130 = tpu.vector_load %arg11[%get3A_129] {strides = array<i32>} : memref<10000xf32, #tpu.memory_space<vmem>>, vector<16xf32>,
        tpu.vector_store_idx %arg7[%get3A_126], %get3A_130 {add = true} : memref<50176xf32, #tpu.memory_space<vmem>>[vector<16xi32>], vector<16xf32>,
        %scan3A_131 = arith.constant 4 : i32
        %scan3A_132 = arith.addi %scan3A_93, %scan3A_131 : i32
        %mul3A_133 = arith.constant 16 : i32
        %mul3A_134 = arith.muli %scan3A_132, %mul3A_133 : i32
        %get3A_135 = arith.index_cast %mul3A_134 : i32 to index
        %get3A_136 = tpu.vector_load %arg10[%get3A_135] {strides = array<i32>} : memref<10000xi32, #tpu.memory_space<vmem>>, vector<16xi32>,
        %mul3A_137 = arith.constant 16 : i32
        %mul3A_138 = arith.muli %scan3A_132, %mul3A_137 : i32
        %get3A_139 = arith.index_cast %mul3A_138 : i32 to index
        %get3A_140 = tpu.vector_load %arg11[%get3A_139] {strides = array<i32>} : memref<10000xf32, #tpu.memory_space<vmem>>, vector<16xf32>,
        tpu.vector_store_idx %arg7[%get3A_136], %get3A_140 {add = true} : memref<50176xf32, #tpu.memory_space<vmem>>[vector<16xi32>], vector<16xf32>,
      }
      %scan3A_77 = arith.constant 625 : i32
      %dma_wait3A_78 = tpu.memref_slice %arg4[%add3A_67] : memref<1600000xi32, #tpu.memory_space<hbm>> -> memref<10000xi32, #tpu.memory_space<hbm>>
      %dma_wait3A_79 = tpu.memref_slice %arg4[%add3A_67] : memref<1600000xi32, #tpu.memory_space<hbm>> -> memref<10000xi32, #tpu.memory_space<hbm>>
      tpu.wait_dma2 semaphore(%arg12 : memref<!tpu.dma_semaphore, #tpu.memory_space<semaphore_mem>>) src(%dma_wait3A_79 : memref<10000xi32, #tpu.memory_space<hbm>>) dst(%arg8 : memref<10000xi32, #tpu.memory_space<vmem>>)
      %dma_wait3A_80 = tpu.memref_slice %arg5[%add3A_67] : memref<800000xf32, #tpu.memory_space<hbm>> -> memref<10000xf32, #tpu.memory_space<hbm>>
      %dma_wait3A_81 = tpu.memref_slice %arg5[%add3A_67] : memref<800000xf32, #tpu.memory_space<hbm>> -> memref<10000xf32, #tpu.memory_space<hbm>>
      tpu.wait_dma2 semaphore(%arg12 : memref<!tpu.dma_semaphore, #tpu.memory_space<semaphore_mem>>) src(%dma_wait3A_81 : memref<10000xf32, #tpu.memory_space<hbm>>) dst(%arg9 : memref<10000xf32, #tpu.memory_space<vmem>>)
      %scan3A_82 = arith.constant 0 : i32
      %scan3A_83 = arith.constant 0 : i32
      %scan3A_84 = arith.constant 625 : i32
      %scan3A_85 = arith.addi %scan3A_83, %scan3A_84 : i32
      %scan3A_86 = arith.constant 5 : i32
      scf.for %scan3A_93 = %scan3A_83 to %scan3A_85 step %scan3A_86  : i32 {
        %mul3A_94 = arith.constant 16 : i32
        %mul3A_95 = arith.muli %scan3A_93, %mul3A_94 : i32
        %get3A = arith.index_cast %mul3A_95 : i32 to index
        %get3A_96 = tpu.vector_load %arg8[%get3A] {strides = array<i32>} : memref<10000xi32, #tpu.memory_space<vmem>>, vector<16xi32>,
        %mul3A_97 = arith.constant 16 : i32
        %mul3A_98 = arith.muli %scan3A_93, %mul3A_97 : i32
        %get3A_99 = arith.index_cast %mul3A_98 : i32 to index
        %get3A_100 = tpu.vector_load %arg9[%get3A_99] {strides = array<i32>} : memref<10000xf32, #tpu.memory_space<vmem>>, vector<16xf32>,
        tpu.vector_store_idx %arg7[%get3A_96], %get3A_100 {add = true} : memref<50176xf32, #tpu.memory_space<vmem>>[vector<16xi32>], vector<16xf32>,
        %scan3A_101 = arith.constant 1 : i32
        %scan3A_102 = arith.addi %scan3A_93, %scan3A_101 : i32
        %mul3A_103 = arith.constant 16 : i32
        %mul3A_104 = arith.muli %scan3A_102, %mul3A_103 : i32
        %get3A_105 = arith.index_cast %mul3A_104 : i32 to index
        %get3A_106 = tpu.vector_load %arg8[%get3A_105] {strides = array<i32>} : memref<10000xi32, #tpu.memory_space<vmem>>, vector<16xi32>,
        %mul3A_107 = arith.constant 16 : i32
        %mul3A_108 = arith.muli %scan3A_102, %mul3A_107 : i32
        %get3A_109 = arith.index_cast %mul3A_108 : i32 to index
        %get3A_110 = tpu.vector_load %arg9[%get3A_109] {strides = array<i32>} : memref<10000xf32, #tpu.memory_space<vmem>>, vector<16xf32>,
        tpu.vector_store_idx %arg7[%get3A_106], %get3A_110 {add = true} : memref<50176xf32, #tpu.memory_space<vmem>>[vector<16xi32>], vector<16xf32>,
        %scan3A_111 = arith.constant 2 : i32
        %scan3A_112 = arith.addi %scan3A_93, %scan3A_111 : i32
        %mul3A_113 = arith.constant 16 : i32
        %mul3A_114 = arith.muli %scan3A_112, %mul3A_113 : i32
        %get3A_115 = arith.index_cast %mul3A_114 : i32 to index
        %get3A_116 = tpu.vector_load %arg8[%get3A_115] {strides = array<i32>} : memref<10000xi32, #tpu.memory_space<vmem>>, vector<16xi32>,
        %mul3A_117 = arith.constant 16 : i32
        %mul3A_118 = arith.muli %scan3A_112, %mul3A_117 : i32
        %get3A_119 = arith.index_cast %mul3A_118 : i32 to index
        %get3A_120 = tpu.vector_load %arg9[%get3A_119] {strides = array<i32>} : memref<10000xf32, #tpu.memory_space<vmem>>, vector<16xf32>,
        tpu.vector_store_idx %arg7[%get3A_116], %get3A_120 {add = true} : memref<50176xf32, #tpu.memory_space<vmem>>[vector<16xi32>], vector<16xf32>,
        %scan3A_121 = arith.constant 3 : i32
        %scan3A_122 = arith.addi %scan3A_93, %scan3A_121 : i32
        %mul3A_123 = arith.constant 16 : i32
        %mul3A_124 = arith.muli %scan3A_122, %mul3A_123 : i32
        %get3A_125 = arith.index_cast %mul3A_124 : i32 to index
        %get3A_126 = tpu.vector_load %arg8[%get3A_125] {strides = array<i32>} : memref<10000xi32, #tpu.memory_space<vmem>>, vector<16xi32>,
        %mul3A_127 = arith.constant 16 : i32
        %mul3A_128 = arith.muli %scan3A_122, %mul3A_127 : i32
        %get3A_129 = arith.index_cast %mul3A_128 : i32 to index
        %get3A_130 = tpu.vector_load %arg9[%get3A_129] {strides = array<i32>} : memref<10000xf32, #tpu.memory_space<vmem>>, vector<16xf32>,
        tpu.vector_store_idx %arg7[%get3A_126], %get3A_130 {add = true} : memref<50176xf32, #tpu.memory_space<vmem>>[vector<16xi32>], vector<16xf32>,
        %scan3A_131 = arith.constant 4 : i32
        %scan3A_132 = arith.addi %scan3A_93, %scan3A_131 : i32
        %mul3A_133 = arith.constant 16 : i32
        %mul3A_134 = arith.muli %scan3A_132, %mul3A_133 : i32
        %get3A_135 = arith.index_cast %mul3A_134 : i32 to index
        %get3A_136 = tpu.vector_load %arg8[%get3A_135] {strides = array<i32>} : memref<10000xi32, #tpu.memory_space<vmem>>, vector<16xi32>,
        %mul3A_137 = arith.constant 16 : i32
        %mul3A_138 = arith.muli %scan3A_132, %mul3A_137 : i32
        %get3A_139 = arith.index_cast %mul3A_138 : i32 to index
        %get3A_140 = tpu.vector_load %arg9[%get3A_139] {strides = array<i32>} : memref<10000xf32, #tpu.memory_space<vmem>>, vector<16xf32>,
        tpu.vector_store_idx %arg7[%get3A_136], %get3A_140 {add = true} : memref<50176xf32, #tpu.memory_space<vmem>>[vector<16xi32>], vector<16xf32>,
      }
      %scan3A_87 = arith.constant 625 : i32
      %mul3A_88 = arith.constant 16 : i32
      %mul3A_89 = arith.muli %arg0, %mul3A_88 : i32
      %add3A_90 = arith.addi %mul3A_89, %arg1 : i32
      %mul3A_91 = arith.constant 50176 : i32
      %mul3A_92 = arith.muli %add3A_90, %mul3A_91 : i32
      "tpu.region"() ({
        %run_scoped3A = tpu.sem_alloc : memref<!tpu.dma_semaphore, #tpu.memory_space<semaphore_mem>>
        %dma_start3A_93 = tpu.memref_slice %arg6[%mul3A_92] : memref<1605632xf32, #tpu.memory_space<hbm>> -> memref<50176xf32, #tpu.memory_space<hbm>>
        %dma_start3A_94 = tpu.memref_slice %arg6[%mul3A_92] : memref<1605632xf32, #tpu.memory_space<hbm>> -> memref<50176xf32, #tpu.memory_space<hbm>>
        tpu.enqueue_dma source(%arg7 : memref<50176xf32, #tpu.memory_space<vmem>>) target(%dma_start3A_94 : memref<50176xf32, #tpu.memory_space<hbm>>) target_semaphore(%run_scoped3A : memref<!tpu.dma_semaphore, #tpu.memory_space<semaphore_mem>>)
        %dma_wait3A_95 = tpu.memref_slice %arg6[%mul3A_92] : memref<1605632xf32, #tpu.memory_space<hbm>> -> memref<50176xf32, #tpu.memory_space<hbm>>
        %dma_wait3A_96 = tpu.memref_slice %arg6[%mul3A_92] : memref<1605632xf32, #tpu.memory_space<hbm>> -> memref<50176xf32, #tpu.memory_space<hbm>>
        tpu.wait_dma2 semaphore(%run_scoped3A : memref<!tpu.dma_semaphore, #tpu.memory_space<semaphore_mem>>) src(%arg7 : memref<50176xf32, #tpu.memory_space<vmem>>) dst(%dma_wait3A_96 : memref<50176xf32, #tpu.memory_space<hbm>>)
        tpu.yield
      }) : () -> ()
    } else {
    }
    return
  }
}

module attributes {stable_mosaic.version = 14 : i64} {
  func.func @_tc_body(%arg0: i32, %arg1: i32, %arg2: memref<6272x128xf32, #tpu.memory_space<vmem>>, %arg3: memref<64x2xf32, #tpu.memory_space<vmem>>, %arg4: memref<64x64xf32, #tpu.memory_space<vmem>>, %arg5: memref<64x64xf32, #tpu.memory_space<vmem>>, %arg6: memref<68x1xf32, #tpu.memory_space<vmem>>, %arg7: memref<64x1xf32, #tpu.memory_space<vmem>>, %arg8: memref<64x8xf32, #tpu.memory_space<vmem>>, %arg9: memref<1x50176xi32, #tpu.memory_space<vmem>>, %arg10: memref<64x4xi32, #tpu.memory_space<vmem>>, %arg11: memref<1x64x50000xf32, #tpu.memory_space<vmem>>, %arg12: memref<64x1xf32, #tpu.memory_space<vmem>>, %arg13: memref<2x50176xf32, #tpu.memory_space<vmem>>) attributes {dimension_semantics = [#tpu.dimension_semantics<arbitrary>, #tpu.dimension_semantics<arbitrary>], iteration_bounds = array<i64: 2, 1>, scalar_prefetch = 0 : i64, scratch_operands = 1 : i64, tpu.core_type = #tpu.core_type<tc>, window_params = [{transform_indices = @transform_0, window_bounds = array<i64: 6272, 128>}, {pipeline_mode = #tpu.pipeline_mode<synchronous>, transform_indices = @transform_1, window_bounds = array<i64: 64, 2>}, {pipeline_mode = #tpu.pipeline_mode<synchronous>, transform_indices = @transform_2, window_bounds = array<i64: 64, 64>}, {pipeline_mode = #tpu.pipeline_mode<synchronous>, transform_indices = @transform_3, window_bounds = array<i64: 64, 64>}, {pipeline_mode = #tpu.pipeline_mode<synchronous>, transform_indices = @transform_4, window_bounds = array<i64: 68, 1>}, {pipeline_mode = #tpu.pipeline_mode<synchronous>, transform_indices = @transform_5, window_bounds = array<i64: 64, 1>}, {pipeline_mode = #tpu.pipeline_mode<synchronous>, transform_indices = @transform_6, window_bounds = array<i64: 64, 8>}, {pipeline_mode = #tpu.pipeline_mode<synchronous>, transform_indices = @transform_7, window_bounds = array<i64: 1, 50176>}, {pipeline_mode = #tpu.pipeline_mode<synchronous>, transform_indices = @transform_8, window_bounds = array<i64: 64, 4>}, {transform_indices = @transform_9, window_bounds = array<i64: 1, 64, 50000>}, {pipeline_mode = #tpu.pipeline_mode<synchronous>, transform_indices = @transform_10, window_bounds = array<i64: 64, 1>}]} {
    %get3A = arith.constant 0 : index
    %get3A_0 = arith.constant 0 : index
    %get3A_1 = vector.load %arg3[%get3A, %get3A_0] : memref<64x2xf32, #tpu.memory_space<vmem>>, vector<64x2xf32>
    %slice3A = vector.extract_strided_slice %get3A_1 {offsets = [0, 0], sizes = [64, 1], strides = [1, 1]} : vector<64x2xf32> to vector<64x1xf32>
    %slice3A_2 = vector.extract_strided_slice %get3A_1 {offsets = [0, 1], sizes = [64, 1], strides = [1, 1]} : vector<64x2xf32> to vector<64x1xf32>
    %add3A = arith.addf %slice3A, %slice3A_2 : vector<64x1xf32>
    %max3A = arith.constant 0.000000e+00 : f32
    %max3A_3 = vector.broadcast %max3A : f32 to vector<64x1xf32>
    %max3A_4 = arith.maximumf %add3A, %max3A_3 : vector<64x1xf32>
    %mul3A = arith.mulf %max3A_4, %max3A_4 : vector<64x1xf32>
    %reduce_sum3A = vector.shape_cast %mul3A : vector<64x1xf32> to vector<1x64x1xf32>
    %reduce_sum3A_5 = arith.constant dense<0.000000e+00> : vector<1xf32>
    %reduce_sum3A_6 = vector.multi_reduction <add>, %reduce_sum3A, %reduce_sum3A_5 [1, 2] : vector<1x64x1xf32> to vector<1xf32>
    %reduce_sum3A_7 = vector.shape_cast %reduce_sum3A_6 : vector<1xf32> to vector<1x1x1xf32>
    %reduce_sum3A_8 = vector.extract %reduce_sum3A_7[0, 0, 0] : f32 from vector<1x1x1xf32>
    %sqrt3A = math.sqrt %reduce_sum3A_8 : f32
    %max3A_9 = arith.constant 9.99999996E-13 : f32
    %max3A_10 = arith.maximumf %sqrt3A, %max3A_9 : f32
    %div3A = vector.broadcast %max3A_10 : f32 to vector<64x1xf32>
    %div3A_11 = arith.divf %max3A_4, %div3A : vector<64x1xf32>
    %get3A_12 = arith.constant 0 : index
    %get3A_13 = arith.constant 0 : index
    %get3A_14 = vector.load %arg4[%get3A_12, %get3A_13] : memref<64x64xf32, #tpu.memory_space<vmem>>, vector<64x64xf32>
    %dot_general3A = arith.constant dense<0.000000e+00> : vector<64x1xf32>
    %dot_general3A_15 = tpu.matmul %get3A_14, %div3A_11, %dot_general3A {dimension_numbers = #tpu.dot_dimension_numbers<[0], [0], [1], [1], [0, 1, 1, 1], [], []>, precision = #tpu.contract_precision<fp32>, transpose_lhs_hint = false} : vector<64x64xf32>, vector<64x1xf32>, vector<64x1xf32> -> vector<64x1xf32>
    %mul3A_16 = arith.mulf %dot_general3A_15, %dot_general3A_15 : vector<64x1xf32>
    %reduce_sum3A_17 = vector.shape_cast %mul3A_16 : vector<64x1xf32> to vector<1x64x1xf32>
    %reduce_sum3A_18 = arith.constant dense<0.000000e+00> : vector<1xf32>
    %reduce_sum3A_19 = vector.multi_reduction <add>, %reduce_sum3A_17, %reduce_sum3A_18 [1, 2] : vector<1x64x1xf32> to vector<1xf32>
    %reduce_sum3A_20 = vector.shape_cast %reduce_sum3A_19 : vector<1xf32> to vector<1x1x1xf32>
    %reduce_sum3A_21 = vector.extract %reduce_sum3A_20[0, 0, 0] : f32 from vector<1x1x1xf32>
    %sqrt3A_22 = math.sqrt %reduce_sum3A_21 : f32
    %get3A_23 = arith.constant 0 : index
    %get3A_24 = arith.constant 0 : index
    %get3A_25 = vector.load %arg2[%get3A_23, %get3A_24] : memref<6272x128xf32, #tpu.memory_space<vmem>>, vector<6272x128xf32>
    %reshape3A = vector.shape_cast %get3A_25 : vector<6272x128xf32> to vector<16x392x128xf32>
    %reduce_sum3A_26 = arith.constant dense<0.000000e+00> : vector<392x128xf32>
    %reduce_sum3A_27 = vector.multi_reduction <add>, %reshape3A, %reduce_sum3A_26 [0] : vector<16x392x128xf32> to vector<392x128xf32>
    %reshape3A_28 = vector.shape_cast %reduce_sum3A_27 : vector<392x128xf32> to vector<1x50176xf32>
    %abs3A = math.absf %reshape3A_28 : vector<1x50176xf32>
    %mul3A_29 = vector.broadcast %sqrt3A_22 : f32 to vector<1x50176xf32>
    %mul3A_30 = arith.mulf %abs3A, %mul3A_29 : vector<1x50176xf32>
    %max3A_31 = arith.constant 9.99999996E-13 : f32
    %max3A_32 = vector.broadcast %max3A_31 : f32 to vector<1x50176xf32>
    %max3A_33 = arith.maximumf %mul3A_30, %max3A_32 : vector<1x50176xf32>
    %div3A_34 = arith.divf %reshape3A_28, %max3A_33 : vector<1x50176xf32>
    %swap3A = arith.index_cast %arg0 : i32 to index
    %swap3A_35 = arith.constant 0 : index
    %swap3A_36 = vector.load %arg13[%swap3A, %swap3A_35] : memref<2x50176xf32, #tpu.memory_space<vmem>>, vector<1x50176xf32>
    tpu.vector_store %arg13[%swap3A, %swap3A_35], %div3A_34 {strides = array<i32>} : memref<2x50176xf32, #tpu.memory_space<vmem>>, vector<1x50176xf32>,
    %get3A_37 = arith.index_cast %arg0 : i32 to index
    %get3A_38 = arith.constant 0 : index
    %get3A_39 = vector.load %arg13[%get3A_37, %get3A_38] : memref<2x50176xf32, #tpu.memory_space<vmem>>, vector<1x50000xf32>
    %mul3A_40 = vector.broadcast %dot_general3A_15 : vector<64x1xf32> to vector<64x50000xf32>
    %mul3A_41 = vector.broadcast %get3A_39 : vector<1x50000xf32> to vector<64x50000xf32>
    %mul3A_42 = arith.mulf %mul3A_40, %mul3A_41 : vector<64x50000xf32>
    %swap3A_43 = arith.constant 0 : index
    %swap3A_44 = arith.constant 0 : index
    %swap3A_45 = arith.constant 0 : index
    %swap3A_46 = vector.load %arg11[%swap3A_43, %swap3A_44, %swap3A_45] : memref<1x64x50000xf32, #tpu.memory_space<vmem>>, vector<1x64x50000xf32>
    %swap3A_47 = vector.shape_cast %swap3A_46 : vector<1x64x50000xf32> to vector<64x50000xf32>
    %swap3A_48 = vector.shape_cast %mul3A_42 : vector<64x50000xf32> to vector<1x64x50000xf32>
    tpu.vector_store %arg11[%swap3A_43, %swap3A_44, %swap3A_45], %swap3A_48 {strides = array<i32>} : memref<1x64x50000xf32, #tpu.memory_space<vmem>>, vector<1x64x50000xf32>,
    %eq3A = arith.constant 1 : i32
    %eq3A_49 = arith.cmpi eq, %arg0, %eq3A : i32
    %convert_element_type3A = arith.extui %eq3A_49 : i1 to i32
    %cond3A = arith.constant 0 : i32
    %cond3A_50 = arith.cmpi ne, %convert_element_type3A, %cond3A : i32
    scf.if %cond3A_50 {
      %iota3A = tpu.iota {dimensions = array<i32: 0>} : vector<64x1xi32>
      %broadcast_in_dim3A = arith.constant 0.000000e+00 : f32
      %broadcast_in_dim3A_51 = vector.broadcast %broadcast_in_dim3A : f32 to vector<64x5xf32>
      %scan3A = arith.constant 0 : i32
      %scan3A_52 = arith.constant 8 : i32
      %scan3A_53 = arith.addi %scan3A, %scan3A_52 : i32
      %scan3A_54 = arith.constant 1 : i32
      %scan3A_55 = scf.for %scan3A_155 = %scan3A to %scan3A_53 step %scan3A_54 iter_args(%scan3A_156 = %broadcast_in_dim3A_51) -> (vector<64x5xf32>)  : i32 {
        %iota3A_157 = tpu.iota {dimensions = array<i32: 1>} : vector<64x6272xi32>
        %mul3A_158 = arith.constant 6272 : i32
        %mul3A_159 = arith.muli %scan3A_155, %mul3A_158 : i32
        %add3A_160 = vector.broadcast %mul3A_159 : i32 to vector<64x6272xi32>
        %add3A_161 = arith.addi %iota3A_157, %add3A_160 : vector<64x6272xi32>
        %mul3A_162 = arith.constant 6272 : i32
        %mul3A_163 = arith.muli %scan3A_155, %mul3A_162 : i32
        %get3A_164 = arith.constant 0 : index
        %get3A_165 = arith.index_cast %mul3A_163 : i32 to index
        %get3A_166 = vector.load %arg13[%get3A_164, %get3A_165] : memref<2x50176xf32, #tpu.memory_space<vmem>>, vector<1x6272xf32>
        %get3A_167 = arith.constant 0 : index
        %get3A_168 = arith.constant 0 : index
        %get3A_169 = vector.load %arg10[%get3A_167, %get3A_168] : memref<64x4xi32, #tpu.memory_space<vmem>>, vector<64x1xi32>
        %eq3A_170 = vector.broadcast %get3A_169 : vector<64x1xi32> to vector<64x6272xi32>
        %eq3A_171 = arith.cmpi eq, %add3A_161, %eq3A_170 : vector<64x6272xi32>
        %jit3A = arith.constant 0.000000e+00 : f32
        %broadcast_in_dim3A_172 = vector.shape_cast %get3A_166 : vector<1x6272xf32> to vector<1x6272xf32>
        %broadcast_in_dim3A_173 = vector.broadcast %broadcast_in_dim3A_172 : vector<1x6272xf32> to vector<64x6272xf32>
        %broadcast_in_dim3A_174 = vector.broadcast %jit3A : f32 to vector<64x6272xf32>
        %select_n3A = arith.select %eq3A_171, %broadcast_in_dim3A_173, %broadcast_in_dim3A_174 : vector<64x6272xi1>, vector<64x6272xf32>
        %reduce_sum3A_175 = arith.constant dense<0.000000e+00> : vector<64xf32>
        %reduce_sum3A_176 = vector.multi_reduction <add>, %select_n3A, %reduce_sum3A_175 [1] : vector<64x6272xf32> to vector<64xf32>
        %broadcast_in_dim3A_177 = vector.shape_cast %reduce_sum3A_176 : vector<64xf32> to vector<64x1xf32>
        %mul3A_178 = arith.constant 6272 : i32
        %mul3A_179 = arith.muli %scan3A_155, %mul3A_178 : i32
        %get3A_180 = arith.constant 0 : index
        %get3A_181 = arith.index_cast %mul3A_179 : i32 to index
        %get3A_182 = vector.load %arg13[%get3A_180, %get3A_181] : memref<2x50176xf32, #tpu.memory_space<vmem>>, vector<1x6272xf32>
        %get3A_183 = arith.constant 0 : index
        %get3A_184 = arith.constant 1 : index
        %get3A_185 = vector.load %arg10[%get3A_183, %get3A_184] : memref<64x4xi32, #tpu.memory_space<vmem>>, vector<64x1xi32>
        %eq3A_186 = vector.broadcast %get3A_185 : vector<64x1xi32> to vector<64x6272xi32>
        %eq3A_187 = arith.cmpi eq, %add3A_161, %eq3A_186 : vector<64x6272xi32>
        %jit3A_188 = arith.constant 0.000000e+00 : f32
        %broadcast_in_dim3A_189 = vector.shape_cast %get3A_182 : vector<1x6272xf32> to vector<1x6272xf32>
        %broadcast_in_dim3A_190 = vector.broadcast %broadcast_in_dim3A_189 : vector<1x6272xf32> to vector<64x6272xf32>
        %broadcast_in_dim3A_191 = vector.broadcast %jit3A_188 : f32 to vector<64x6272xf32>
        %select_n3A_192 = arith.select %eq3A_187, %broadcast_in_dim3A_190, %broadcast_in_dim3A_191 : vector<64x6272xi1>, vector<64x6272xf32>
        %reduce_sum3A_193 = arith.constant dense<0.000000e+00> : vector<64xf32>
        %reduce_sum3A_194 = vector.multi_reduction <add>, %select_n3A_192, %reduce_sum3A_193 [1] : vector<64x6272xf32> to vector<64xf32>
        %broadcast_in_dim3A_195 = vector.shape_cast %reduce_sum3A_194 : vector<64xf32> to vector<64x1xf32>
        %mul3A_196 = arith.constant 6272 : i32
        %mul3A_197 = arith.muli %scan3A_155, %mul3A_196 : i32
        %get3A_198 = arith.constant 1 : index
        %get3A_199 = arith.index_cast %mul3A_197 : i32 to index
        %get3A_200 = vector.load %arg13[%get3A_198, %get3A_199] : memref<2x50176xf32, #tpu.memory_space<vmem>>, vector<1x6272xf32>
        %get3A_201 = arith.constant 0 : index
        %get3A_202 = arith.constant 2 : index
        %get3A_203 = vector.load %arg10[%get3A_201, %get3A_202] : memref<64x4xi32, #tpu.memory_space<vmem>>, vector<64x1xi32>
        %eq3A_204 = vector.broadcast %get3A_203 : vector<64x1xi32> to vector<64x6272xi32>
        %eq3A_205 = arith.cmpi eq, %add3A_161, %eq3A_204 : vector<64x6272xi32>
        %jit3A_206 = arith.constant 0.000000e+00 : f32
        %broadcast_in_dim3A_207 = vector.shape_cast %get3A_200 : vector<1x6272xf32> to vector<1x6272xf32>
        %broadcast_in_dim3A_208 = vector.broadcast %broadcast_in_dim3A_207 : vector<1x6272xf32> to vector<64x6272xf32>
        %broadcast_in_dim3A_209 = vector.broadcast %jit3A_206 : f32 to vector<64x6272xf32>
        %select_n3A_210 = arith.select %eq3A_205, %broadcast_in_dim3A_208, %broadcast_in_dim3A_209 : vector<64x6272xi1>, vector<64x6272xf32>
        %reduce_sum3A_211 = arith.constant dense<0.000000e+00> : vector<64xf32>
        %reduce_sum3A_212 = vector.multi_reduction <add>, %select_n3A_210, %reduce_sum3A_211 [1] : vector<64x6272xf32> to vector<64xf32>
        %broadcast_in_dim3A_213 = vector.shape_cast %reduce_sum3A_212 : vector<64xf32> to vector<64x1xf32>
        %mul3A_214 = arith.constant 6272 : i32
        %mul3A_215 = arith.muli %scan3A_155, %mul3A_214 : i32
        %get3A_216 = arith.constant 1 : index
        %get3A_217 = arith.index_cast %mul3A_215 : i32 to index
        %get3A_218 = vector.load %arg13[%get3A_216, %get3A_217] : memref<2x50176xf32, #tpu.memory_space<vmem>>, vector<1x6272xf32>
        %get3A_219 = arith.constant 0 : index
        %get3A_220 = arith.constant 3 : index
        %get3A_221 = vector.load %arg10[%get3A_219, %get3A_220] : memref<64x4xi32, #tpu.memory_space<vmem>>, vector<64x1xi32>
        %eq3A_222 = vector.broadcast %get3A_221 : vector<64x1xi32> to vector<64x6272xi32>
        %eq3A_223 = arith.cmpi eq, %add3A_161, %eq3A_222 : vector<64x6272xi32>
        %jit3A_224 = arith.constant 0.000000e+00 : f32
        %broadcast_in_dim3A_225 = vector.shape_cast %get3A_218 : vector<1x6272xf32> to vector<1x6272xf32>
        %broadcast_in_dim3A_226 = vector.broadcast %broadcast_in_dim3A_225 : vector<1x6272xf32> to vector<64x6272xf32>
        %broadcast_in_dim3A_227 = vector.broadcast %jit3A_224 : f32 to vector<64x6272xf32>
        %select_n3A_228 = arith.select %eq3A_223, %broadcast_in_dim3A_226, %broadcast_in_dim3A_227 : vector<64x6272xi1>, vector<64x6272xf32>
        %reduce_sum3A_229 = arith.constant dense<0.000000e+00> : vector<64xf32>
        %reduce_sum3A_230 = vector.multi_reduction <add>, %select_n3A_228, %reduce_sum3A_229 [1] : vector<64x6272xf32> to vector<64xf32>
        %broadcast_in_dim3A_231 = vector.shape_cast %reduce_sum3A_230 : vector<64xf32> to vector<64x1xf32>
        %mul3A_232 = arith.constant 6272 : i32
        %mul3A_233 = arith.muli %scan3A_155, %mul3A_232 : i32
        %get3A_234 = arith.constant 0 : index
        %get3A_235 = arith.index_cast %mul3A_233 : i32 to index
        %get3A_236 = vector.load %arg9[%get3A_234, %get3A_235] : memref<1x50176xi32, #tpu.memory_space<vmem>>, vector<1x6272xi32>
        %eq3A_237 = vector.broadcast %get3A_236 : vector<1x6272xi32> to vector<64x6272xi32>
        %eq3A_238 = vector.broadcast %iota3A : vector<64x1xi32> to vector<64x6272xi32>
        %eq3A_239 = arith.cmpi eq, %eq3A_237, %eq3A_238 : vector<64x6272xi32>
        %jit3A_240 = arith.constant 1.000000e+00 : f32
        %jit3A_241 = arith.constant 0.000000e+00 : f32
        %broadcast_in_dim3A_242 = vector.broadcast %jit3A_240 : f32 to vector<64x6272xf32>
        %broadcast_in_dim3A_243 = vector.broadcast %jit3A_241 : f32 to vector<64x6272xf32>
        %select_n3A_244 = arith.select %eq3A_239, %broadcast_in_dim3A_242, %broadcast_in_dim3A_243 : vector<64x6272xi1>, vector<64x6272xf32>
        %reduce_sum3A_245 = arith.constant dense<0.000000e+00> : vector<64xf32>
        %reduce_sum3A_246 = vector.multi_reduction <add>, %select_n3A_244, %reduce_sum3A_245 [1] : vector<64x6272xf32> to vector<64xf32>
        %broadcast_in_dim3A_247 = vector.shape_cast %reduce_sum3A_246 : vector<64xf32> to vector<64x1xf32>
        %concatenate3A_248 = tpu.concatenate %broadcast_in_dim3A_177, %broadcast_in_dim3A_195, %broadcast_in_dim3A_213, %broadcast_in_dim3A_231, %broadcast_in_dim3A_247 in 1 : vector<64x1xf32>, vector<64x1xf32>, vector<64x1xf32>, vector<64x1xf32>, vector<64x1xf32> -> vector<64x5xf32>
        %add3A_249 = arith.addf %scan3A_156, %concatenate3A_248 : vector<64x5xf32>
        scf.yield %add3A_249 : vector<64x5xf32>
      }
      %scan3A_56 = arith.constant 8 : i32
      %slice3A_57 = vector.extract_strided_slice %scan3A_55 {offsets = [0, 4], sizes = [64, 1], strides = [1, 1]} : vector<64x5xf32> to vector<64x1xf32>
      %mul3A_58 = vector.broadcast %sqrt3A_22 : f32 to vector<64x1xf32>
      %mul3A_59 = arith.mulf %slice3A_57, %mul3A_58 : vector<64x1xf32>
      %max3A_60 = arith.constant 9.99999996E-13 : f32
      %max3A_61 = vector.broadcast %max3A_60 : f32 to vector<64x1xf32>
      %max3A_62 = arith.maximumf %mul3A_59, %max3A_61 : vector<64x1xf32>
      %div3A_63 = arith.divf %slice3A_57, %max3A_62 : vector<64x1xf32>
      %get3A_64 = arith.constant 0 : index
      %get3A_65 = arith.constant 0 : index
      %get3A_66 = vector.load %arg7[%get3A_64, %get3A_65] : memref<64x1xf32, #tpu.memory_space<vmem>>, vector<64x1xf32>
      %mul3A_67 = arith.mulf %dot_general3A_15, %get3A_66 : vector<64x1xf32>
      %reduce_sum3A_68 = vector.shape_cast %mul3A_67 : vector<64x1xf32> to vector<1x64x1xf32>
      %reduce_sum3A_69 = arith.constant dense<0.000000e+00> : vector<1xf32>
      %reduce_sum3A_70 = vector.multi_reduction <add>, %reduce_sum3A_68, %reduce_sum3A_69 [1, 2] : vector<1x64x1xf32> to vector<1xf32>
      %reduce_sum3A_71 = vector.shape_cast %reduce_sum3A_70 : vector<1xf32> to vector<1x1x1xf32>
      %reduce_sum3A_72 = vector.extract %reduce_sum3A_71[0, 0, 0] : f32 from vector<1x1x1xf32>
      %mul3A_73 = arith.mulf %dot_general3A_15, %dot_general3A_15 : vector<64x1xf32>
      %get3A_74 = arith.constant 0 : index
      %get3A_75 = arith.constant 0 : index
      %get3A_76 = vector.load %arg5[%get3A_74, %get3A_75] : memref<64x64xf32, #tpu.memory_space<vmem>>, vector<64x64xf32>
      %dot_general3A_77 = arith.constant dense<0.000000e+00> : vector<64x1xf32>
      %dot_general3A_78 = tpu.matmul %get3A_76, %mul3A_73, %dot_general3A_77 {dimension_numbers = #tpu.dot_dimension_numbers<[0], [0], [1], [1], [0, 1, 1, 1], [], []>, precision = #tpu.contract_precision<fp32>, transpose_lhs_hint = false} : vector<64x64xf32>, vector<64x1xf32>, vector<64x1xf32> -> vector<64x1xf32>
      %get3A_79 = arith.constant 0 : index
      %get3A_80 = arith.constant 0 : index
      %get3A_81 = vector.load %arg6[%get3A_79, %get3A_80] : memref<68x1xf32, #tpu.memory_space<vmem>>, vector<64x1xf32>
      %max3A_82 = arith.constant 0.000000e+00 : f32
      %max3A_83 = vector.broadcast %max3A_82 : f32 to vector<64x1xf32>
      %max3A_84 = arith.maximumf %dot_general3A_78, %max3A_83 : vector<64x1xf32>
      %mul3A_85 = arith.mulf %max3A_84, %get3A_81 : vector<64x1xf32>
      %reduce_sum3A_86 = vector.shape_cast %mul3A_85 : vector<64x1xf32> to vector<1x64x1xf32>
      %reduce_sum3A_87 = arith.constant dense<0.000000e+00> : vector<1xf32>
      %reduce_sum3A_88 = vector.multi_reduction <add>, %reduce_sum3A_86, %reduce_sum3A_87 [1, 2] : vector<1x64x1xf32> to vector<1xf32>
      %reduce_sum3A_89 = vector.shape_cast %reduce_sum3A_88 : vector<1xf32> to vector<1x1x1xf32>
      %reduce_sum3A_90 = vector.extract %reduce_sum3A_89[0, 0, 0] : f32 from vector<1x1x1xf32>
      %neg3A = arith.constant 0.000000e+00 : f32
      %neg3A_91 = vector.broadcast %neg3A : f32 to vector<64x1xf32>
      %neg3A_92 = arith.subf %neg3A_91, %dot_general3A_78 : vector<64x1xf32>
      %max3A_93 = arith.constant 0.000000e+00 : f32
      %max3A_94 = vector.broadcast %max3A_93 : f32 to vector<64x1xf32>
      %max3A_95 = arith.maximumf %neg3A_92, %max3A_94 : vector<64x1xf32>
      %mul3A_96 = arith.mulf %max3A_95, %get3A_81 : vector<64x1xf32>
      %reduce_sum3A_97 = vector.shape_cast %mul3A_96 : vector<64x1xf32> to vector<1x64x1xf32>
      %reduce_sum3A_98 = arith.constant dense<0.000000e+00> : vector<1xf32>
      %reduce_sum3A_99 = vector.multi_reduction <add>, %reduce_sum3A_97, %reduce_sum3A_98 [1, 2] : vector<1x64x1xf32> to vector<1xf32>
      %reduce_sum3A_100 = vector.shape_cast %reduce_sum3A_99 : vector<1xf32> to vector<1x1x1xf32>
      %reduce_sum3A_101 = vector.extract %reduce_sum3A_100[0, 0, 0] : f32 from vector<1x1x1xf32>
      %get3A_102 = arith.constant 64 : index
      %get3A_103 = arith.constant 0 : index
      %get3A_104 = vector.load %arg6[%get3A_102, %get3A_103] : memref<68x1xf32, #tpu.memory_space<vmem>>, vector<4x1xf32>
      %concatenate3A = tpu.concatenate %get3A_104, %get3A_104 in 0 : vector<4x1xf32>, vector<4x1xf32> -> vector<8x1xf32>
      %slice3A_105 = vector.extract_strided_slice %scan3A_55 {offsets = [0, 0], sizes = [64, 1], strides = [1, 1]} : vector<64x5xf32> to vector<64x1xf32>
      %slice3A_106 = vector.extract_strided_slice %scan3A_55 {offsets = [0, 1], sizes = [64, 1], strides = [1, 1]} : vector<64x5xf32> to vector<64x1xf32>
      %mul3A_107 = arith.mulf %slice3A_105, %slice3A_106 : vector<64x1xf32>
      %mul3A_108 = arith.mulf %mul3A_107, %div3A_63 : vector<64x1xf32>
      %mul3A_109 = vector.broadcast %reduce_sum3A_72 : f32 to vector<64x1xf32>
      %mul3A_110 = arith.mulf %mul3A_108, %mul3A_109 : vector<64x1xf32>
      %slice3A_111 = vector.extract_strided_slice %scan3A_55 {offsets = [0, 2], sizes = [64, 1], strides = [1, 1]} : vector<64x5xf32> to vector<64x1xf32>
      %slice3A_112 = vector.extract_strided_slice %scan3A_55 {offsets = [0, 3], sizes = [64, 1], strides = [1, 1]} : vector<64x5xf32> to vector<64x1xf32>
      %mul3A_113 = arith.mulf %slice3A_111, %slice3A_112 : vector<64x1xf32>
      %mul3A_114 = arith.mulf %mul3A_113, %div3A_63 : vector<64x1xf32>
      %mul3A_115 = vector.broadcast %reduce_sum3A_72 : f32 to vector<64x1xf32>
      %mul3A_116 = arith.mulf %mul3A_114, %mul3A_115 : vector<64x1xf32>
      %max3A_117 = arith.constant 0.000000e+00 : f32
      %max3A_118 = vector.broadcast %max3A_117 : f32 to vector<64x1xf32>
      %max3A_119 = arith.maximumf %mul3A_110, %max3A_118 : vector<64x1xf32>
      %mul3A_120 = vector.broadcast %reduce_sum3A_90 : f32 to vector<64x1xf32>
      %mul3A_121 = arith.mulf %max3A_119, %mul3A_120 : vector<64x1xf32>
      %neg3A_122 = arith.constant 0.000000e+00 : f32
      %neg3A_123 = vector.broadcast %neg3A_122 : f32 to vector<64x1xf32>
      %neg3A_124 = arith.subf %neg3A_123, %mul3A_110 : vector<64x1xf32>
      %max3A_125 = arith.constant 0.000000e+00 : f32
      %max3A_126 = vector.broadcast %max3A_125 : f32 to vector<64x1xf32>
      %max3A_127 = arith.maximumf %neg3A_124, %max3A_126 : vector<64x1xf32>
      %mul3A_128 = vector.broadcast %reduce_sum3A_101 : f32 to vector<64x1xf32>
      %mul3A_129 = arith.mulf %max3A_127, %mul3A_128 : vector<64x1xf32>
      %add3A_130 = arith.addf %mul3A_121, %mul3A_129 : vector<64x1xf32>
      %max3A_131 = arith.constant 0.000000e+00 : f32
      %max3A_132 = vector.broadcast %max3A_131 : f32 to vector<64x1xf32>
      %max3A_133 = arith.maximumf %mul3A_116, %max3A_132 : vector<64x1xf32>
      %mul3A_134 = vector.broadcast %reduce_sum3A_90 : f32 to vector<64x1xf32>
      %mul3A_135 = arith.mulf %max3A_133, %mul3A_134 : vector<64x1xf32>
      %add3A_136 = arith.addf %add3A_130, %mul3A_135 : vector<64x1xf32>
      %neg3A_137 = arith.constant 0.000000e+00 : f32
      %neg3A_138 = vector.broadcast %neg3A_137 : f32 to vector<64x1xf32>
      %neg3A_139 = arith.subf %neg3A_138, %mul3A_116 : vector<64x1xf32>
      %max3A_140 = arith.constant 0.000000e+00 : f32
      %max3A_141 = vector.broadcast %max3A_140 : f32 to vector<64x1xf32>
      %max3A_142 = arith.maximumf %neg3A_139, %max3A_141 : vector<64x1xf32>
      %mul3A_143 = vector.broadcast %reduce_sum3A_101 : f32 to vector<64x1xf32>
      %mul3A_144 = arith.mulf %max3A_142, %mul3A_143 : vector<64x1xf32>
      %add3A_145 = arith.addf %add3A_136, %mul3A_144 : vector<64x1xf32>
      %get3A_146 = arith.constant 0 : index
      %get3A_147 = arith.constant 0 : index
      %get3A_148 = vector.load %arg8[%get3A_146, %get3A_147] : memref<64x8xf32, #tpu.memory_space<vmem>>, vector<64x8xf32>
      %dot_general3A_149 = arith.constant dense<0.000000e+00> : vector<64x1xf32>
      %dot_general3A_150 = tpu.matmul %get3A_148, %concatenate3A, %dot_general3A_149 {dimension_numbers = #tpu.dot_dimension_numbers<[1], [0], [0], [1], [0, 0, 1, 1], [], []>, precision = #tpu.contract_precision<fp32>, transpose_lhs_hint = false} : vector<64x8xf32>, vector<8x1xf32>, vector<64x1xf32> -> vector<64x1xf32>
      %add3A_151 = arith.addf %add3A_145, %dot_general3A_150 : vector<64x1xf32>
      %swap3A_152 = arith.constant 0 : index
      %swap3A_153 = arith.constant 0 : index
      %swap3A_154 = vector.load %arg12[%swap3A_152, %swap3A_153] : memref<64x1xf32, #tpu.memory_space<vmem>>, vector<64x1xf32>
      tpu.vector_store %arg12[%swap3A_152, %swap3A_153], %add3A_151 {strides = array<i32>} : memref<64x1xf32, #tpu.memory_space<vmem>>, vector<64x1xf32>,
    } else {
    }
    return
  }
  func.func @transform_0(%arg0: i32, %arg1: i32) -> (i32, i32) {
    %c0_i32 = arith.constant 0 : i32
    %c0_i32_0 = arith.constant 0 : i32
    return %arg0, %c0_i32 : i32, i32
  }
  func.func @transform_1(%arg0: i32, %arg1: i32) -> (i32, i32) {
    %c0_i32 = arith.constant 0 : i32
    %c0_i32_0 = arith.constant 0 : i32
    %c0_i32_1 = arith.constant 0 : i32
    return %c0_i32, %c0_i32_0 : i32, i32
  }
  func.func @transform_2(%arg0: i32, %arg1: i32) -> (i32, i32) {
    %c0_i32 = arith.constant 0 : i32
    %c0_i32_0 = arith.constant 0 : i32
    %c0_i32_1 = arith.constant 0 : i32
    return %c0_i32, %c0_i32_0 : i32, i32
  }
  func.func @transform_3(%arg0: i32, %arg1: i32) -> (i32, i32) {
    %c0_i32 = arith.constant 0 : i32
    %c0_i32_0 = arith.constant 0 : i32
    %c0_i32_1 = arith.constant 0 : i32
    return %c0_i32, %c0_i32_0 : i32, i32
  }
  func.func @transform_4(%arg0: i32, %arg1: i32) -> (i32, i32) {
    %c0_i32 = arith.constant 0 : i32
    %c0_i32_0 = arith.constant 0 : i32
    %c0_i32_1 = arith.constant 0 : i32
    return %c0_i32, %c0_i32_0 : i32, i32
  }
  func.func @transform_5(%arg0: i32, %arg1: i32) -> (i32, i32) {
    %c0_i32 = arith.constant 0 : i32
    %c0_i32_0 = arith.constant 0 : i32
    %c0_i32_1 = arith.constant 0 : i32
    return %c0_i32, %c0_i32_0 : i32, i32
  }
  func.func @transform_6(%arg0: i32, %arg1: i32) -> (i32, i32) {
    %c0_i32 = arith.constant 0 : i32
    %c0_i32_0 = arith.constant 0 : i32
    %c0_i32_1 = arith.constant 0 : i32
    return %c0_i32, %c0_i32_0 : i32, i32
  }
  func.func @transform_7(%arg0: i32, %arg1: i32) -> (i32, i32) {
    %c0_i32 = arith.constant 0 : i32
    %c0_i32_0 = arith.constant 0 : i32
    %c0_i32_1 = arith.constant 0 : i32
    return %c0_i32, %c0_i32_0 : i32, i32
  }
  func.func @transform_8(%arg0: i32, %arg1: i32) -> (i32, i32) {
    %c0_i32 = arith.constant 0 : i32
    %c0_i32_0 = arith.constant 0 : i32
    %c0_i32_1 = arith.constant 0 : i32
    return %c0_i32, %c0_i32_0 : i32, i32
  }
  func.func @transform_9(%arg0: i32, %arg1: i32) -> (i32, i32, i32) {
    %c0_i32 = arith.constant 0 : i32
    %c0_i32_0 = arith.constant 0 : i32
    %c0_i32_1 = arith.constant 0 : i32
    return %arg0, %c0_i32, %c0_i32_0 : i32, i32, i32
  }
  func.func @transform_10(%arg0: i32, %arg1: i32) -> (i32, i32) {
    %c0_i32 = arith.constant 0 : i32
    %c0_i32_0 = arith.constant 0 : i32
    %c0_i32_1 = arith.constant 0 : i32
    return %c0_i32, %c0_i32_0 : i32, i32
  }
}

</mosaic_0001>

<sc_bundles>
// kernel: kernel.4.cloned.1.call-start
scs
__scs_entry_jumppad:
0x0: {  	(pc) =	sbr.rel $0x88, $3  }
0x1: {  	(tag) =	ssettag $0x0;
	lr =	simm.s32 $0x1  }
0x2: {  	[smem:$0x3F95] =	sst lr;
	_ =	strace $0xD0000000  }
0x3: {  	_ = 	snop  }
0x4: {  	_ = 	snop  }
0x5: {  	_ = 	snop  }
0x6: {  	_ = 	snop  }
0x7: {  	_ = 	snop  }
__scs_overlays_trampoline_lowered:
0x8: {  	[smem:$0x3FA4] =	sst s0  }
0x9: {  	[smem:$0x3FA5] =	sst s1  }
0xa: {  	[smem:$0x3FA6] =	sst s2  }
0xb: {  	[smem:$0x3FA7] =	sst s3  }
0xc: {  	[smem:$0x3FA8] =	sst s4  }
0xd: {  	[smem:$0x3FA9] =	sst s5  }
0xe: {  	[smem:$0x3FAA] =	sst s6  }
0xf: {  	[smem:$0x3FAB] =	sst s7  }
0x10: {  	[smem:$0x3FAC] =	sst s8  }
0x11: {  	[smem:$0x3FAD] =	sst s9;
	s0 =	simm.s32 @!p0 $0x0  }
0x12: {  	s1 =	sld [smem:$0x3F93];
	s0 =	simm.s32 @p0 $0x1  }
0x13: {  	[smem:$0x3FAE] =	sst s0;
	s0 =	simm.s32 @!p1 $0x0  }
0x14: {  	s2 =	sld [smem:$0x3F92];
	s0 =	simm.s32 @p1 $0x1  }
0x15: {  	[smem:$0x3FAF] =	sst s0;
	s0 =	simm.s32 @!p2 $0x0  }
0x16: {  	s3 =	sld [smem:$0x3FDB];
	s0 =	simm.s32 @p2 $0x1  }
0x17: {  	s4 =	simm.s32 $0x1BF5;
	[smem:$0x3FB1] =	sst s0  }
0x18: {  	s0 =	sld [smem:$0x3F94];
	_ =	swait.ge [sflag:s4], $0x0  }
0x19: {  	s7 =	sld [smem:$0x3F95]  }
0x1a: {  	s8 =	sadd.s32 $0xFFFFE003, lr  }
0x1b: {  	s9 =	sadd.s32 $0xFFFFFEF7, lr;
	s5 =	simm.s32 $0xFFFFFFFF;
	p2 =	slt.u32 s8, $0xFFFFF086  }
0x1c: {  	p1 =	slt.u32 s9, $0xF7A;
	s5 =	simm.s32 @!p2 $0x0  }
0x1d: {  	s5 =	simm.s32 @p1 $0x1;
	p0 =	seq.s32 s7, s2  }
0x1e: {  	s7 =	smul.u32 @!p0 $0xF7A, s2;
	p2 =	seq.s32 @!p0 s5, $0x0  }
0x1f: {  	s9 =	smul.u32 $0xF7A, s1;
	s8 =	simm.s32 @!p0 $0x1BF5;
	p2 =	por !p2, p0  }
0x20: {  	[sflag:s8] =	ssyncset.s32 @!p0 $0xFFFFF086;
	s6 =	sadd.s32 @!p0 s3, s7;
	s7 =	simm.s32 @!p0 $0x108  }
0x21: {  	s3 =	sadd.s32 s3, s9;
	s6 =	sadd.s32 @!p0 $0x88, s6;
	s7 =	simm.s32 @p2 $0x1082  }
0x22: {  	[simem:s7], [sflag:s8] =	dma.local @!p0 [hbm:s6], $0xF7A  }
0x23: {  	s9 =	sor.u32 $0xD0000000, s2;
	s6 =	simm.s32 $0x108;
	_ =	swait.ge @!p0 [sflag:s8], $0x0  }
0x24: {  	s3 =	sadd.s32 $0x88, s3;
	s6 =	simm.s32 @!p1 $0x1082;
	[sflag:s4] =	ssyncset.s32 $0xFFFFF086  }
0x25: {  	[simem:s6], [sflag:s4] =	dma.local [hbm:s3], $0xF7A  }
0x26: {  	[smem:$0x3F95] =	sst s1;
	(tag) =	ssettag s2;
	_ =	strace s9  }
0x27: {  	s1 =	sld [smem:$0x3FA5]  }
0x28: {  	s2 =	sld [smem:$0x3FA6]  }
0x29: {  	s4 =	sld [smem:$0x3FA8]  }
0x2a: {  	p0 =	seq.s32 s5, $0x0;
	s5 =	sld [smem:$0x3FA9]  }
0x2b: {  	s6 =	sld [smem:$0x3FAA]  }
0x2c: {  	s7 =	sld [smem:$0x3FAB]  }
0x2d: {  	s3 =	simm.s32 $0x108;
	s8 =	sld [smem:$0x3FAC]  }
0x2e: {  	s3 =	simm.s32 @!p0 $0x1082;
	s9 =	sld [smem:$0x3FAD]  }
0x2f: {  	lr =	sadd.s32 s0, s3;
	s0 =	sld [smem:$0x3FA4]  }
0x30: {  	s3 =	sld [smem:$0x3FA7]  }
0x31: {  	[smem:$0x3FB0] =	sst s10  }
0x32: {  	s10 =	sld [smem:$0x3FAE];
	_ =	sdelay $0x3  }
0x33: {  	p0 =	seq.s32 s10, $0x1;
	s10 =	sld [smem:$0x3FB0];
	_ =	sdelay $0x3  }
0x34: {  	[smem:$0x3FB0] =	sst s10  }
0x35: {  	s10 =	sld [smem:$0x3FAF];
	_ =	sdelay $0x3  }
0x36: {  	p1 =	seq.s32 s10, $0x1;
	s10 =	sld [smem:$0x3FB0];
	_ =	sdelay $0x3  }
0x37: {  	[smem:$0x3FB0] =	sst s10  }
0x38: {  	s10 =	sld [smem:$0x3FB1]  }
0x39: {  	_ = 	snop;
	(pc) =	sbr.ind lr, $3  }
0x3a: {  	_ = 	snop  }
0x3b: {  	_ = 	snop  }
0x3c: {  	p2 =	seq.s32 s10, $0x1;
	s10 =	sld [smem:$0x3FB0]  }
0x3d: {  	_ =	shalt  }
0x3e: {  	_ =	shalt  }
0x3f: {  	_ =	shalt  }
0x40: {  	_ =	shalt  }
0x41: {  	_ =	shalt  }
0x42: {  	_ =	shalt  }
0x43: {  	_ =	shalt  }
0x44: {  	_ =	shalt  }
0x45: {  	_ =	shalt  }
0x46: {  	_ =	shalt  }
0x47: {  	_ =	shalt  }
0x48: {  	_ =	shalt  }
0x49: {  	_ =	shalt  }
0x4a: {  	_ =	shalt  }
0x4b: {  	_ =	shalt  }
0x4c: {  	_ =	shalt  }
0x4d: {  	_ =	shalt  }
0x4e: {  	_ =	shalt  }
0x4f: {  	_ =	shalt  }
0x50: {  	_ =	shalt  }
0x51: {  	_ =	shalt  }
0x52: {  	_ =	shalt  }
0x53: {  	_ =	shalt  }
0x54: {  	_ =	shalt  }
0x55: {  	_ =	shalt  }
0x56: {  	_ =	shalt  }
0x57: {  	_ =	shalt  }
0x58: {  	_ =	shalt  }
0x59: {  	_ =	shalt  }
0x5a: {  	_ =	shalt  }
0x5b: {  	_ =	shalt  }
0x5c: {  	_ =	shalt  }
0x5d: {  	_ =	shalt  }
0x5e: {  	_ =	shalt  }
0x5f: {  	_ =	shalt  }
0x60: {  	_ =	shalt  }
0x61: {  	_ =	shalt  }
0x62: {  	_ =	shalt  }
0x63: {  	_ =	shalt  }
0x64: {  	_ =	shalt  }
0x65: {  	_ =	shalt  }
0x66: {  	_ =	shalt  }
0x67: {  	_ =	shalt  }
0x68: {  	_ =	shalt  }
0x69: {  	_ =	shalt  }
0x6a: {  	_ =	shalt  }
0x6b: {  	_ =	shalt  }
0x6c: {  	_ =	shalt  }
0x6d: {  	_ =	shalt  }
0x6e: {  	_ =	shalt  }
0x6f: {  	_ =	shalt  }
0x70: {  	_ =	shalt  }
0x71: {  	_ =	shalt  }
0x72: {  	_ =	shalt  }
0x73: {  	_ =	shalt  }
0x74: {  	_ =	shalt  }
0x75: {  	_ =	shalt  }
0x76: {  	_ =	shalt  }
0x77: {  	_ =	shalt  }
0x78: {  	_ =	shalt  }
0x79: {  	_ =	shalt  }
0x7a: {  	_ =	shalt  }
0x7b: {  	_ =	shalt  }
0x7c: {  	_ =	shalt  }
0x7d: {  	_ =	shalt  }
0x7e: {  	_ =	shalt  }
0x7f: {  	_ =	shalt  }
0x80: {  	_ =	shalt  }
0x81: {  	_ =	shalt  }
0x82: {  	_ =	shalt  }
0x83: {  	_ =	shalt  }
0x84: {  	_ =	shalt  }
0x85: {  	_ =	shalt  }
0x86: {  	_ =	shalt  }
0x87: {  	_ =	shalt  }
.Lfunc_end0:
.L_simem_size_0:
called_computation_lowered:
.L_overlay_start_0:
0x88: {  	s2 =	sld [smem:$0x3FD9]  }
0x89: {  	s3 =	sld [smem:$0x3FFE];
	_ =	sdelay $0x1  }
0x8a: {  	s1 =	srdreg.scid  }
0x8b: {  	s0 =	sand.u32 $0x1, s1  }
0x8c: {  	s14 =	sshll.u32 s0, $0xA;
	s2 =	sadd.s32 s3, s2  }
0x8d: {  	s2 =	sadd.s32 s2, s14  }
0x8e: {  	[smem:$0x3FBC] =	sst s2  }
0x8f: {  	_ = 	snop  }
0x90: {  	s2 =	sld [smem:$0x3FD0];
	_ =	sdelay $0x1  }
0x91: {  	s15 =	sld [smem:$0x3FC8]  }
0x92: {  	s5 =	simm.s32 $0xA;
	s6 =	simm.s32 $0x10;
	s4 =	sld [smem:$0x3FC6]  }
0x93: {  	[smem:s6], [sflag:s5] =	dma.local [hbm:s2], $0x1  }
0x94: {  	_ =	swait.eq [sflag:s5], $0x1  }
0x95: {  	[sflag:s5] =	ssyncset.done $0x0  }
0x96: {  	[sflag:s5] =	ssyncadd.s32 $0xFFFFFFFF  }
0x97: {  	s16 =	sld [smem:$0x11];
	(tm) =	ssettm $0x1  }
0x98: {  	s17 =	sld [smem:$0x3FFB];
	_ =	sdelay $0x3  }
0x99: {  	_ =	strace s17  }
0x9a: {  	s5 =	sld [smem:$0x3FFC];
	_ =	sdelay $0x3  }
0x9b: {  	_ =	strace s5  }
0x9c: {  	s5 =	sld [smem:$0x3FFD];
	_ =	sdelay $0x3  }
0x9d: {  	_ =	strace s5  }
0x9e: {  	_ =	strace $0x8FFFFFFF  }
0x9f: {  	s18 =	sld [smem:$0x3FDB];
	_ =	sdelay $0x1  }
0xa0: {  	s19 =	simm.s32 $_scs_section_size  }
0xa1: {  	s7 =	simm.s32 $_size__tile_overlayer_lowered;
	s8 =	simm.s32 $_tile_overlayer_lowered  }
0xa2: {  	s22 =	simm.s32 $0x1BFF;
	s21 =	sshll.u32 s8, $0x1;
	s5 =	sadd.s32 s19, s18  }
0xa3: {  	s9 =	simm.s32 $0x0;
	s20 =	sshll.u32 s7, $0x1;
	s7 =	sadd.s32 s21, s5  }
0xa4: {  	[timem:s9], [sflag:s22] =	dma.local [hbm:s7], s20  }
0xa5: {  	_ =	swait.ge [sflag:s22], s20  }
0xa6: {  	s6 =	ssub.s32 $0x0, s20;
	[sflag:s22] =	ssyncset.done $0x0  }
0xa7: {  	[sflag:s22] =	ssyncadd.s32 s6;
	_ =	sdelay $0x1  }
0xa8: {  	s23 =	simm.s32 $0x1B8B  }
0xa9: {  	_ =	swait.ge [sflag:s23], $0x1  }
0xaa: {  	[sflag:s23] =	ssyncset.done $0x0  }
0xab: {  	s25 =	simm.s32 $0x1B8E;
	s24 =	sld [smem:$0x3FFE];
	[sflag:s23] =	ssyncadd.s32 $0xFFFFFFFF  }
0xac: {  	s26 =	simm.s32 $execute0_lowered;
	[smem:$0x3FD2] =	sst s25  }
0xad: {  	s7 =	sshll.u32 s26, $0x1;
	_ =	strace $0x80000046;
	[dreg:$0x1] =	wrdreg $0xFFFFFFFF  }
0xae: {  	s28 =	simm.s32 $_size_execute0_lowered;
	s5 =	sadd.s32 s5, s7;
	[dreg:$0x0] =	wrdreg $0x0  }
0xaf: {  	s7 =	sshll.u32 s28, $0x1;
	[dreg:$0x2] =	wrdreg s5  }
0xb0: {  	[dreg:$0x3] =	wrdreg s7  }
0xb1: {  	[dreg:$0x4] =	wrdreg $0xC0  }
0xb2: {  	_ =	task [dreg:s9], $0x5FFFF  }
0xb3: {  	[dreg:$0x1] =	wrdreg $0xFFFFFFFF  }
0xb4: {  	[dreg:$0x0] =	wrdreg $0x60  }
0xb5: {  	[dreg:$0x2] =	wrdreg s24  }
0xb6: {  	[dreg:$0x3] =	wrdreg s15  }
0xb7: {  	[dreg:$0x4] =	wrdreg s4  }
0xb8: {  	[dreg:$0x5] =	wrdreg s16  }
0xb9: {  	[dreg:$0x6] =	wrdreg $0x9  }
0xba: {  	_ =	task.clear_ibuf [dreg:s9], $0x7FFFF;
	_ =	strace $0x90000046  }
0xbb: {  	s29 =	simm.s32 $0x9;
	_ =	strace $0x80000048  }
0xbc: {  	_ =	swait.ge [sflag:s29], $0x1  }
0xbd: {  	[sflag:s29] =	ssyncadd.s32 $0xFFFFFFFF  }
0xbe: {  	_ =	strace $0x90000048  }
0xbf: {  	_ =	sfence  }
0xc0: {  	s30 =	sld [smem:$0x0];
	_ =	sdelay $0x2  }
0xc1: {  	s31 =	sshll.u32 s1, $0xD;
	s1 =	sshrl.u32 s1, $0x2  }
0xc2: {  	s3 =	sand.u32 $0x4000, s31;
	s1 =	sadd.s32 s1, s30  }
0xc3: {  	s0 =	sor.u32 s3, s0;
	s1 =	sshll.u32 s1, $0x11  }
0xc4: {  	s0 =	sor.u32 s1, s0  }
0xc5: {  	s0 =	sadd.s32 $0x8F2B, s0  }
0xc6: {  	[sflag:s0] =	ssyncadd.remote.s32 $0x1  }
0xc7: {  	_ =	sfence.sel $0xFFFF  }
0xc8: {  	[dreg:$0x0] =	wrdreg $0xFFFFFFFF;
	(pc) =	sbr.abs _section_cstart, $3  }
0xc9: {  	[dreg:$0x1] =	wrdreg $0xFFFFFFFF  }
0xca: {  	_ =	task.clear_ibuf [dreg:s9], $0x2FFFF;
	_ =	strace $0x9FFFFFFF  }
0xcb: {  	(tm) =	ssettm $0x7FFFFFFF  }
tec
execute0_lowered:
.L_overlay_start_1:
0x0: {  	(tag) =	ssettag $0x1  }
0x1: {  	s0 =	rddreg [dreg:$0x0]  }
0x2: {  	s1 =	rddreg [dreg:$0x1]  }
0x3: {  	s3 =	rddreg [dreg:$0x2]  }
0x4: {  	s4 =	rddreg [dreg:$0x3];
	s5 =	srdreg.scid;
	s2 =	simm.s32 $0x0  }
0x5: {  	s9 =	stileid.u32;
	s28 =	simm.s32 $0xEB80;
	s29 =	simm.s32 $0x1  }
0x6: {  	s30 =	simm.s32 $0x11300;
	s31 =	simm.s32 $0x13A80;
	s5 =	sand.u32 $0x1, s5  }
0x7: {  	[smem:$0x7FF] =	sst s2;
	s7 =	smul.u32 $0xC350, s9;
	s11 =	sadd.s32 $0x2400, s0  }
0x8: {  	s0 =	sadd.s32 $0x33200, s0;
	s13 =	smul.u32 $0x1880, s9;
	s6 =	ssub.s32 $0x2, s5  }
0x9: {  	_ =	strace $0x80000047;
	p0 =	seq.s32 s5, $0x1;
	s8 =	sshrl.u32 s6, $0x1  }
0xa: {  	s15 =	sshrl.u32 s7, $0x3;
	s13 =	sadd.s32 s4, s13;
	s25 =	ssub.s32 s6, s8  }
0xb: {  	s21 =	sadd.s32 s11, s15;
	s22 =	sadd.s32 $0x4E2, s15;
	s24 =	sadd.s32 s1, s15  }
0xc: {  	s19 =	sadd.s32 $0x9C4, s15;
	s23 =	sadd.s32 $0x1388, s15;
	[dreg:$0x5] =	wrdreg s21  }
0xd: {  	s14 =	sadd.s32 s0, s15;
	[dreg:$0x6] =	wrdreg s24;
	s26 =	sadd.s32 s11, s22  }
0xe: {  	s6 =	sadd.s32 s1, s22;
	s7 =	sadd.s32 s11, s19;
	s8 =	sadd.s32 s1, s19  }
0xf: {  	s21 =	sadd.s32 $0xEA6, s15;
	s12 =	sadd.s32 s1, s23;
	s15 =	sadd.s32 s3, s15  }
0x10: {  	s16 =	sadd.s32 s0, s22;
	s17 =	sadd.s32 s3, s22;
	s18 =	sadd.s32 s0, s19  }
.Ltmp0:
0x11: {  	s19 =	sadd.s32 s3, s19;
	s22 =	sadd.s32 s0, s23;
	(pc) =	sbr.rel .LBB2_1-.Ltmp0, $4  }
0x12: {  	s24 =	sadd.s32 $0x18800, s13;
	s25 =	smax.u32 s25, $0x1;
	[dreg:$0x7] =	wrdreg s26  }
0x13: {  	s9 =	sadd.s32 s11, s21;
	s10 =	sadd.s32 s1, s21;
	s11 =	sadd.s32 s11, s23  }
0x14: {  	s20 =	sadd.s32 s0, s21;
	s21 =	sadd.s32 s3, s21;
	s23 =	sadd.s32 s3, s23  }
0x15: {  	v0 =	vimm.f32 $0.0e+00;
	s26 =	simm.s32 $0xC400;
	s0 =	simm.s32 $0x2;
	s1 =	simm.s32 $0x0  }
.LBB2_28:
0x16: {  	s1 =	sadd.s32 $0x1, s1  }
0x17: {  	p1 =	sne.s32 s1, s25  }
.Ltmp1:
0x18: {  	_ = 	snop;
	(pc) =	sbr.rel @!p1 .LBB2_29-.Ltmp1, $4  }
0x19: {  	[hbm4b:s3+s2] =	stream.linear.scatter [tilespmem:s2], [sflag:$0x2], $0xC400, $0x38;
	[tilespmem:$0x16200] =	vst v63  }
0x1a: {  	_ =	swait.ge [sflag:s0], $0xC400  }
0x1b: {  	[sflag:s0] =	ssyncset.done $0x0  }
0x1c: {  	[sflag:s0] =	ssyncadd.s32 $0xFFFF3C00  }
.LBB2_1:
.Ltmp2:
0x1d: {  	(pc) =	sbr.rel @!p0 .LBB2_2-.Ltmp2, $1  }
0x1e: {  	_ =	sdelay $0x3  }
0x1f: {  	[tilespmem:s26], [sflag:$0x1] =	stream.linear.gather [hbm4b:s14+s2], $0x2710, $0x38;
	[tilespmem:$0x16200] =	vst v63  }
0x20: {  	s3 =	simm.s32 $0x40  }
0x21: {  	[tilespmem:s28], [sflag:$0x1] =	stream.linear.gather [hbm4b:s15+s2], $0x2710, $0x38;
	[tilespmem:$0x16200] =	vst v63  }
0x22: {  	[tilespmem:s3+$0xFFFFFFC0] =	vst v0  }
0x23: {  	[tilespmem:s3+$0x30] =	vst v0  }
0x24: {  	[tilespmem:s3+$0x20] =	vst v0  }
0x25: {  	[tilespmem:s3+$0x10] =	vst v0  }
0x26: {  	[tilespmem:s3+$0x0] =	vst v0  }
0x27: {  	[tilespmem:s3+$0xFFFFFFF0] =	vst v0  }
0x28: {  	s4 =	simm.s32 $0x0;
	[tilespmem:s3+$0xFFFFFFE0] =	vst v0  }
.LBB2_16:
0x29: {  	s4 =	sadd.s32 $0x8, s4;
	[tilespmem:s3+$0xFFFFFFD0] =	vst v0;
	s3 =	sadd.s32 $0x80, s3  }
0x2a: {  	[tilespmem:s3+$0xFFFFFFC0] =	vst v0;
	p1 =	slt.u32 s4, $0xC38  }
0x2b: {  	[tilespmem:s3+$0x30] =	vst v0  }
.Ltmp3:
0x2c: {  	[tilespmem:s3+$0x20] =	vst v0;
	(pc) =	sbr.rel @p1 .LBB2_16-.Ltmp3, $4  }
0x2d: {  	[tilespmem:s3+$0x10] =	vst v0  }
0x2e: {  	[tilespmem:s3+$0x0] =	vst v0  }
0x2f: {  	[tilespmem:s3+$0xFFFFFFF0] =	vst v0  }
0x30: {  	[tilespmem:s3+$0xFFFFFFE0] =	vst v0  }
0x31: {  	[tilespmem:s3+$0xFFFFFFD0] =	vst v0  }
0x32: {  	_ =	swait.ge [sflag:s29], $0x2710  }
0x33: {  	[sflag:s29] =	ssyncset.done $0x0  }
0x34: {  	[sflag:s29] =	ssyncadd.s32 $0xFFFFD8F0  }
0x35: {  	_ =	swait.ge [sflag:s29], $0x2710  }
0x36: {  	[sflag:s29] =	ssyncset.done $0x0  }
0x37: {  	[sflag:s29] =	ssyncadd.s32 $0xFFFFD8F0  }
0x38: {  	[tilespmem:s30], [sflag:$0x1] =	stream.linear.gather [hbm4b:s16+s2], $0x2710, $0x38;
	[tilespmem:$0x16200] =	vst v63  }
0x39: {  	s3 =	simm.s32 $0xFFFFFFFB;
	s4 =	simm.s32 $0xC420;
	s5 =	simm.s32 $0xEBA0  }
0x3a: {  	[tilespmem:s31], [sflag:$0x1] =	stream.linear.gather [hbm4b:s17+s2], $0x2710, $0x38;
	[tilespmem:$0x16200] =	vst v63  }
.LBB2_18:
0x3b: {  	v1 =	vld [tilespmem:s4+$0xFFFFFFE0];
	_ =	sdelay $0x2  }
0x3c: {  	v2 =	vld [tilespmem:s5+$0xFFFFFFE0];
	_ =	sdelay $0x4  }
0x3d: {  	[tilespmem:v1+s2+$0x0] =	vst.idx.add.f32.msk $0xffff, v2  }
0x3e: {  	v1 =	vld [tilespmem:s4+$0xFFFFFFF0];
	_ =	sdelay $0x2  }
0x3f: {  	v2 =	vld [tilespmem:s5+$0xFFFFFFF0];
	_ =	sdelay $0x4  }
0x40: {  	[tilespmem:v1+s2+$0x0] =	vst.idx.add.f32.msk $0xffff, v2  }
0x41: {  	v1 =	vld [tilespmem:s4+$0x0];
	_ =	sdelay $0x2  }
0x42: {  	v2 =	vld [tilespmem:s5+$0x0];
	_ =	sdelay $0x4  }
0x43: {  	[tilespmem:v1+s2+$0x0] =	vst.idx.add.f32.msk $0xffff, v2  }
0x44: {  	v1 =	vld [tilespmem:s4+$0x10];
	_ =	sdelay $0x2  }
0x45: {  	v2 =	vld [tilespmem:s5+$0x10];
	_ =	sdelay $0x4  }
0x46: {  	[tilespmem:v1+s2+$0x0] =	vst.idx.add.f32.msk $0xffff, v2  }
0x47: {  	v1 =	vld [tilespmem:s4+$0x20];
	_ =	sdelay $0x1  }
0x48: {  	s3 =	sadd.s32 $0x5, s3  }
0x49: {  	p1 =	slt.u32 s3, $0x26C;
	v2 =	vld [tilespmem:s5+$0x20]  }
.Ltmp4:
0x4a: {  	_ = 	snop;
	(pc) =	sbr.rel @p1 .LBB2_18-.Ltmp4, $2  }
0x4b: {  	_ =	sdelay $0x2  }
0x4c: {  	s4 =	sadd.s32 $0x50, s4;
	s5 =	sadd.s32 $0x50, s5;
	[tilespmem:v1+s2+$0x0] =	vst.idx.add.f32.msk $0xffff, v2  }
0x4d: {  	_ =	swait.ge [sflag:s29], $0x2710  }
0x4e: {  	[sflag:s29] =	ssyncset.done $0x0  }
0x4f: {  	[sflag:s29] =	ssyncadd.s32 $0xFFFFD8F0  }
0x50: {  	_ =	swait.ge [sflag:s29], $0x2710  }
0x51: {  	[sflag:s29] =	ssyncset.done $0x0  }
0x52: {  	[sflag:s29] =	ssyncadd.s32 $0xFFFFD8F0  }
0x53: {  	[tilespmem:s26], [sflag:$0x1] =	stream.linear.gather [hbm4b:s18+s2], $0x2710, $0x38;
	[tilespmem:$0x16200] =	vst v63  }
0x54: {  	s3 =	simm.s32 $0xFFFFFFFB;
	s4 =	simm.s32 $0x11320;
	s5 =	simm.s32 $0x13AA0  }
0x55: {  	[tilespmem:s28], [sflag:$0x1] =	stream.linear.gather [hbm4b:s19+s2], $0x2710, $0x38;
	[tilespmem:$0x16200] =	vst v63  }
.LBB2_20:
0x56: {  	v1 =	vld [tilespmem:s4+$0xFFFFFFE0];
	_ =	sdelay $0x2  }
0x57: {  	v2 =	vld [tilespmem:s5+$0xFFFFFFE0];
	_ =	sdelay $0x4  }
0x58: {  	[tilespmem:v1+s2+$0x0] =	vst.idx.add.f32.msk $0xffff, v2  }
0x59: {  	v1 =	vld [tilespmem:s4+$0xFFFFFFF0];
	_ =	sdelay $0x2  }
0x5a: {  	v2 =	vld [tilespmem:s5+$0xFFFFFFF0];
	_ =	sdelay $0x4  }
0x5b: {  	[tilespmem:v1+s2+$0x0] =	vst.idx.add.f32.msk $0xffff, v2  }
0x5c: {  	v1 =	vld [tilespmem:s4+$0x0];
	_ =	sdelay $0x2  }
0x5d: {  	v2 =	vld [tilespmem:s5+$0x0];
	_ =	sdelay $0x4  }
0x5e: {  	[tilespmem:v1+s2+$0x0] =	vst.idx.add.f32.msk $0xffff, v2  }
0x5f: {  	v1 =	vld [tilespmem:s4+$0x10];
	_ =	sdelay $0x2  }
0x60: {  	v2 =	vld [tilespmem:s5+$0x10];
	_ =	sdelay $0x4  }
0x61: {  	[tilespmem:v1+s2+$0x0] =	vst.idx.add.f32.msk $0xffff, v2  }
0x62: {  	v1 =	vld [tilespmem:s4+$0x20];
	_ =	sdelay $0x1  }
0x63: {  	s3 =	sadd.s32 $0x5, s3  }
0x64: {  	p1 =	slt.u32 s3, $0x26C;
	v2 =	vld [tilespmem:s5+$0x20]  }
.Ltmp5:
0x65: {  	_ = 	snop;
	(pc) =	sbr.rel @p1 .LBB2_20-.Ltmp5, $2  }
0x66: {  	_ =	sdelay $0x2  }
0x67: {  	s4 =	sadd.s32 $0x50, s4;
	s5 =	sadd.s32 $0x50, s5;
	[tilespmem:v1+s2+$0x0] =	vst.idx.add.f32.msk $0xffff, v2  }
0x68: {  	_ =	swait.ge [sflag:s29], $0x2710  }
0x69: {  	[sflag:s29] =	ssyncset.done $0x0  }
0x6a: {  	[sflag:s29] =	ssyncadd.s32 $0xFFFFD8F0  }
0x6b: {  	_ =	swait.ge [sflag:s29], $0x2710  }
0x6c: {  	[sflag:s29] =	ssyncset.done $0x0  }
0x6d: {  	[sflag:s29] =	ssyncadd.s32 $0xFFFFD8F0  }
0x6e: {  	[tilespmem:s30], [sflag:$0x1] =	stream.linear.gather [hbm4b:s20+s2], $0x2710, $0x38;
	[tilespmem:$0x16200] =	vst v63  }
0x6f: {  	s3 =	simm.s32 $0xFFFFFFFB;
	s4 =	simm.s32 $0xC420;
	s5 =	simm.s32 $0xEBA0  }
0x70: {  	[tilespmem:s31], [sflag:$0x1] =	stream.linear.gather [hbm4b:s21+s2], $0x2710, $0x38;
	[tilespmem:$0x16200] =	vst v63  }
.LBB2_22:
0x71: {  	v1 =	vld [tilespmem:s4+$0xFFFFFFE0];
	_ =	sdelay $0x2  }
0x72: {  	v2 =	vld [tilespmem:s5+$0xFFFFFFE0];
	_ =	sdelay $0x4  }
0x73: {  	[tilespmem:v1+s2+$0x0] =	vst.idx.add.f32.msk $0xffff, v2  }
0x74: {  	v1 =	vld [tilespmem:s4+$0xFFFFFFF0];
	_ =	sdelay $0x2  }
0x75: {  	v2 =	vld [tilespmem:s5+$0xFFFFFFF0];
	_ =	sdelay $0x4  }
0x76: {  	[tilespmem:v1+s2+$0x0] =	vst.idx.add.f32.msk $0xffff, v2  }
0x77: {  	v1 =	vld [tilespmem:s4+$0x0];
	_ =	sdelay $0x2  }
0x78: {  	v2 =	vld [tilespmem:s5+$0x0];
	_ =	sdelay $0x4  }
0x79: {  	[tilespmem:v1+s2+$0x0] =	vst.idx.add.f32.msk $0xffff, v2  }
0x7a: {  	v1 =	vld [tilespmem:s4+$0x10];
	_ =	sdelay $0x2  }
0x7b: {  	v2 =	vld [tilespmem:s5+$0x10];
	_ =	sdelay $0x4  }
0x7c: {  	[tilespmem:v1+s2+$0x0] =	vst.idx.add.f32.msk $0xffff, v2  }
0x7d: {  	v1 =	vld [tilespmem:s4+$0x20];
	_ =	sdelay $0x1  }
0x7e: {  	s3 =	sadd.s32 $0x5, s3  }
0x7f: {  	p1 =	slt.u32 s3, $0x26C;
	v2 =	vld [tilespmem:s5+$0x20]  }
.Ltmp6:
0x80: {  	_ = 	snop;
	(pc) =	sbr.rel @p1 .LBB2_22-.Ltmp6, $2  }
0x81: {  	_ =	sdelay $0x2  }
0x82: {  	s4 =	sadd.s32 $0x50, s4;
	s5 =	sadd.s32 $0x50, s5;
	[tilespmem:v1+s2+$0x0] =	vst.idx.add.f32.msk $0xffff, v2  }
0x83: {  	_ =	swait.ge [sflag:s29], $0x2710  }
0x84: {  	[sflag:s29] =	ssyncset.done $0x0  }
0x85: {  	[sflag:s29] =	ssyncadd.s32 $0xFFFFD8F0  }
0x86: {  	_ =	swait.ge [sflag:s29], $0x2710  }
0x87: {  	[sflag:s29] =	ssyncset.done $0x0  }
0x88: {  	[sflag:s29] =	ssyncadd.s32 $0xFFFFD8F0  }
0x89: {  	[tilespmem:s26], [sflag:$0x1] =	stream.linear.gather [hbm4b:s22+s2], $0x2710, $0x38;
	[tilespmem:$0x16200] =	vst v63  }
0x8a: {  	s3 =	simm.s32 $0xFFFFFFFB;
	s4 =	simm.s32 $0x11320;
	s5 =	simm.s32 $0x13AA0  }
0x8b: {  	[tilespmem:s28], [sflag:$0x1] =	stream.linear.gather [hbm4b:s23+s2], $0x2710, $0x38;
	[tilespmem:$0x16200] =	vst v63  }
.LBB2_24:
0x8c: {  	v1 =	vld [tilespmem:s4+$0xFFFFFFE0];
	_ =	sdelay $0x2  }
0x8d: {  	v2 =	vld [tilespmem:s5+$0xFFFFFFE0];
	_ =	sdelay $0x4  }
0x8e: {  	[tilespmem:v1+s2+$0x0] =	vst.idx.add.f32.msk $0xffff, v2  }
0x8f: {  	v1 =	vld [tilespmem:s4+$0xFFFFFFF0];
	_ =	sdelay $0x2  }
0x90: {  	v2 =	vld [tilespmem:s5+$0xFFFFFFF0];
	_ =	sdelay $0x4  }
0x91: {  	[tilespmem:v1+s2+$0x0] =	vst.idx.add.f32.msk $0xffff, v2  }
0x92: {  	v1 =	vld [tilespmem:s4+$0x0];
	_ =	sdelay $0x2  }
0x93: {  	v2 =	vld [tilespmem:s5+$0x0];
	_ =	sdelay $0x4  }
0x94: {  	[tilespmem:v1+s2+$0x0] =	vst.idx.add.f32.msk $0xffff, v2  }
0x95: {  	v1 =	vld [tilespmem:s4+$0x10];
	_ =	sdelay $0x2  }
0x96: {  	v2 =	vld [tilespmem:s5+$0x10];
	_ =	sdelay $0x4  }
0x97: {  	[tilespmem:v1+s2+$0x0] =	vst.idx.add.f32.msk $0xffff, v2  }
0x98: {  	v1 =	vld [tilespmem:s4+$0x20];
	_ =	sdelay $0x1  }
0x99: {  	s3 =	sadd.s32 $0x5, s3  }
0x9a: {  	p1 =	slt.u32 s3, $0x26C;
	v2 =	vld [tilespmem:s5+$0x20]  }
.Ltmp7:
0x9b: {  	_ = 	snop;
	(pc) =	sbr.rel @p1 .LBB2_24-.Ltmp7, $2  }
0x9c: {  	_ =	sdelay $0x2  }
0x9d: {  	s4 =	sadd.s32 $0x50, s4;
	s5 =	sadd.s32 $0x50, s5;
	[tilespmem:v1+s2+$0x0] =	vst.idx.add.f32.msk $0xffff, v2  }
0x9e: {  	_ =	swait.ge [sflag:s29], $0x2710  }
0x9f: {  	[sflag:s29] =	ssyncset.done $0x0  }
0xa0: {  	[sflag:s29] =	ssyncadd.s32 $0xFFFFD8F0  }
0xa1: {  	_ =	swait.ge [sflag:s29], $0x2710  }
0xa2: {  	s3 =	simm.s32 $0xFFFFFFFB;
	[sflag:s29] =	ssyncset.done $0x0  }
0xa3: {  	s4 =	simm.s32 $0xC420;
	s5 =	simm.s32 $0xEBA0;
	[sflag:s29] =	ssyncadd.s32 $0xFFFFD8F0  }
.LBB2_26:
0xa4: {  	v1 =	vld [tilespmem:s4+$0xFFFFFFE0];
	_ =	sdelay $0x2  }
0xa5: {  	v2 =	vld [tilespmem:s5+$0xFFFFFFE0];
	_ =	sdelay $0x4  }
0xa6: {  	[tilespmem:v1+s2+$0x0] =	vst.idx.add.f32.msk $0xffff, v2  }
0xa7: {  	v1 =	vld [tilespmem:s4+$0xFFFFFFF0];
	_ =	sdelay $0x2  }
0xa8: {  	v2 =	vld [tilespmem:s5+$0xFFFFFFF0];
	_ =	sdelay $0x4  }
0xa9: {  	[tilespmem:v1+s2+$0x0] =	vst.idx.add.f32.msk $0xffff, v2  }
0xaa: {  	v1 =	vld [tilespmem:s4+$0x0];
	_ =	sdelay $0x2  }
0xab: {  	v2 =	vld [tilespmem:s5+$0x0];
	_ =	sdelay $0x4  }
0xac: {  	[tilespmem:v1+s2+$0x0] =	vst.idx.add.f32.msk $0xffff, v2  }
0xad: {  	v1 =	vld [tilespmem:s4+$0x10];
	_ =	sdelay $0x2  }
0xae: {  	v2 =	vld [tilespmem:s5+$0x10];
	_ =	sdelay $0x4  }
0xaf: {  	[tilespmem:v1+s2+$0x0] =	vst.idx.add.f32.msk $0xffff, v2  }
0xb0: {  	v1 =	vld [tilespmem:s4+$0x20];
	_ =	sdelay $0x1  }
0xb1: {  	s3 =	sadd.s32 $0x5, s3  }
0xb2: {  	p1 =	slt.u32 s3, $0x26C;
	v2 =	vld [tilespmem:s5+$0x20]  }
.Ltmp8:
0xb3: {  	_ = 	snop;
	(pc) =	sbr.rel @p1 .LBB2_26-.Ltmp8, $2  }
0xb4: {  	_ =	sdelay $0x2  }
0xb5: {  	s4 =	sadd.s32 $0x50, s4;
	s5 =	sadd.s32 $0x50, s5;
	[tilespmem:v1+s2+$0x0] =	vst.idx.add.f32.msk $0xffff, v2  }
.Ltmp9:
0xb6: {  	(pc) =	sbr.rel .LBB2_28-.Ltmp9, $2  }
0xb7: {  	_ =	sdelay $0x2  }
0xb8: {  	s3 =	smov.u32 s24  }
.LBB2_2:
0xb9: {  	s3 =	rddreg [dreg:$0x5]  }
0xba: {  	[tilespmem:s26], [sflag:$0x1] =	stream.linear.gather [hbm4b:s3+s2], $0x2710, $0x38;
	[tilespmem:$0x16200] =	vst v63  }
0xbb: {  	s5 =	rddreg [dreg:$0x6];
	s3 =	simm.s32 $0x40  }
0xbc: {  	[tilespmem:s28], [sflag:$0x1] =	stream.linear.gather [hbm4b:s5+s2], $0x2710, $0x38;
	[tilespmem:$0x16200] =	vst v63  }
0xbd: {  	[tilespmem:s3+$0xFFFFFFC0] =	vst v0  }
0xbe: {  	[tilespmem:s3+$0x30] =	vst v0  }
0xbf: {  	[tilespmem:s3+$0x20] =	vst v0  }
0xc0: {  	[tilespmem:s3+$0x10] =	vst v0  }
0xc1: {  	[tilespmem:s3+$0x0] =	vst v0  }
0xc2: {  	[tilespmem:s3+$0xFFFFFFF0] =	vst v0  }
0xc3: {  	s4 =	simm.s32 $0x0;
	[tilespmem:s3+$0xFFFFFFE0] =	vst v0  }
.LBB2_3:
0xc4: {  	s4 =	sadd.s32 $0x8, s4;
	[tilespmem:s3+$0xFFFFFFD0] =	vst v0;
	s3 =	sadd.s32 $0x80, s3  }
0xc5: {  	[tilespmem:s3+$0xFFFFFFC0] =	vst v0;
	p1 =	slt.u32 s4, $0xC38  }
0xc6: {  	[tilespmem:s3+$0x30] =	vst v0  }
.Ltmp10:
0xc7: {  	[tilespmem:s3+$0x20] =	vst v0;
	(pc) =	sbr.rel @p1 .LBB2_3-.Ltmp10, $4  }
0xc8: {  	[tilespmem:s3+$0x10] =	vst v0  }
0xc9: {  	[tilespmem:s3+$0x0] =	vst v0  }
0xca: {  	[tilespmem:s3+$0xFFFFFFF0] =	vst v0  }
0xcb: {  	[tilespmem:s3+$0xFFFFFFE0] =	vst v0  }
0xcc: {  	[tilespmem:s3+$0xFFFFFFD0] =	vst v0  }
0xcd: {  	_ =	swait.ge [sflag:s29], $0x2710  }
0xce: {  	[sflag:s29] =	ssyncset.done $0x0  }
0xcf: {  	[sflag:s29] =	ssyncadd.s32 $0xFFFFD8F0  }
0xd0: {  	_ =	swait.ge [sflag:s29], $0x2710  }
0xd1: {  	[sflag:s29] =	ssyncset.done $0x0  }
0xd2: {  	s5 =	rddreg [dreg:$0x7];
	[sflag:s29] =	ssyncadd.s32 $0xFFFFD8F0  }
0xd3: {  	[tilespmem:s30], [sflag:$0x1] =	stream.linear.gather [hbm4b:s5+s2], $0x2710, $0x38;
	[tilespmem:$0x16200] =	vst v63  }
0xd4: {  	s3 =	simm.s32 $0xFFFFFFFB;
	s4 =	simm.s32 $0xC420;
	s5 =	simm.s32 $0xEBA0  }
0xd5: {  	[tilespmem:s31], [sflag:$0x1] =	stream.linear.gather [hbm4b:s6+s2], $0x2710, $0x38;
	[tilespmem:$0x16200] =	vst v63  }
.LBB2_5:
0xd6: {  	v1 =	vld [tilespmem:s4+$0xFFFFFFE0];
	_ =	sdelay $0x2  }
0xd7: {  	v2 =	vld [tilespmem:s5+$0xFFFFFFE0];
	_ =	sdelay $0x4  }
0xd8: {  	[tilespmem:v1+s2+$0x0] =	vst.idx.add.f32.msk $0xffff, v2  }
0xd9: {  	v1 =	vld [tilespmem:s4+$0xFFFFFFF0];
	_ =	sdelay $0x2  }
0xda: {  	v2 =	vld [tilespmem:s5+$0xFFFFFFF0];
	_ =	sdelay $0x4  }
0xdb: {  	[tilespmem:v1+s2+$0x0] =	vst.idx.add.f32.msk $0xffff, v2  }
0xdc: {  	v1 =	vld [tilespmem:s4+$0x0];
	_ =	sdelay $0x2  }
0xdd: {  	v2 =	vld [tilespmem:s5+$0x0];
	_ =	sdelay $0x4  }
0xde: {  	[tilespmem:v1+s2+$0x0] =	vst.idx.add.f32.msk $0xffff, v2  }
0xdf: {  	v1 =	vld [tilespmem:s4+$0x10];
	_ =	sdelay $0x2  }
0xe0: {  	v2 =	vld [tilespmem:s5+$0x10];
	_ =	sdelay $0x4  }
0xe1: {  	[tilespmem:v1+s2+$0x0] =	vst.idx.add.f32.msk $0xffff, v2  }
0xe2: {  	v1 =	vld [tilespmem:s4+$0x20];
	_ =	sdelay $0x1  }
0xe3: {  	s3 =	sadd.s32 $0x5, s3  }
0xe4: {  	p1 =	slt.u32 s3, $0x26C;
	v2 =	vld [tilespmem:s5+$0x20]  }
.Ltmp11:
0xe5: {  	_ = 	snop;
	(pc) =	sbr.rel @p1 .LBB2_5-.Ltmp11, $2  }
0xe6: {  	_ =	sdelay $0x2  }
0xe7: {  	s4 =	sadd.s32 $0x50, s4;
	s5 =	sadd.s32 $0x50, s5;
	[tilespmem:v1+s2+$0x0] =	vst.idx.add.f32.msk $0xffff, v2  }
0xe8: {  	_ =	swait.ge [sflag:s29], $0x2710  }
0xe9: {  	[sflag:s29] =	ssyncset.done $0x0  }
0xea: {  	[sflag:s29] =	ssyncadd.s32 $0xFFFFD8F0  }
0xeb: {  	_ =	swait.ge [sflag:s29], $0x2710  }
0xec: {  	[sflag:s29] =	ssyncset.done $0x0  }
0xed: {  	[sflag:s29] =	ssyncadd.s32 $0xFFFFD8F0  }
0xee: {  	[tilespmem:s26], [sflag:$0x1] =	stream.linear.gather [hbm4b:s7+s2], $0x2710, $0x38;
	[tilespmem:$0x16200] =	vst v63  }
0xef: {  	s3 =	simm.s32 $0xFFFFFFFB;
	s4 =	simm.s32 $0x11320;
	s5 =	simm.s32 $0x13AA0  }
0xf0: {  	[tilespmem:s28], [sflag:$0x1] =	stream.linear.gather [hbm4b:s8+s2], $0x2710, $0x38;
	[tilespmem:$0x16200] =	vst v63  }
.LBB2_7:
0xf1: {  	v1 =	vld [tilespmem:s4+$0xFFFFFFE0];
	_ =	sdelay $0x2  }
0xf2: {  	v2 =	vld [tilespmem:s5+$0xFFFFFFE0];
	_ =	sdelay $0x4  }
0xf3: {  	[tilespmem:v1+s2+$0x0] =	vst.idx.add.f32.msk $0xffff, v2  }
0xf4: {  	v1 =	vld [tilespmem:s4+$0xFFFFFFF0];
	_ =	sdelay $0x2  }
0xf5: {  	v2 =	vld [tilespmem:s5+$0xFFFFFFF0];
	_ =	sdelay $0x4  }
0xf6: {  	[tilespmem:v1+s2+$0x0] =	vst.idx.add.f32.msk $0xffff, v2  }
0xf7: {  	v1 =	vld [tilespmem:s4+$0x0];
	_ =	sdelay $0x2  }
0xf8: {  	v2 =	vld [tilespmem:s5+$0x0];
	_ =	sdelay $0x4  }
0xf9: {  	[tilespmem:v1+s2+$0x0] =	vst.idx.add.f32.msk $0xffff, v2  }
0xfa: {  	v1 =	vld [tilespmem:s4+$0x10];
	_ =	sdelay $0x2  }
0xfb: {  	v2 =	vld [tilespmem:s5+$0x10];
	_ =	sdelay $0x4  }
0xfc: {  	[tilespmem:v1+s2+$0x0] =	vst.idx.add.f32.msk $0xffff, v2  }
0xfd: {  	v1 =	vld [tilespmem:s4+$0x20];
	_ =	sdelay $0x1  }
0xfe: {  	s3 =	sadd.s32 $0x5, s3  }
0xff: {  	p1 =	slt.u32 s3, $0x26C;
	v2 =	vld [tilespmem:s5+$0x20]  }
.Ltmp12:
0x100: {  	_ = 	snop;
	(pc) =	sbr.rel @p1 .LBB2_7-.Ltmp12, $2  }
0x101: {  	_ =	sdelay $0x2  }
0x102: {  	s4 =	sadd.s32 $0x50, s4;
	s5 =	sadd.s32 $0x50, s5;
	[tilespmem:v1+s2+$0x0] =	vst.idx.add.f32.msk $0xffff, v2  }
0x103: {  	_ =	swait.ge [sflag:s29], $0x2710  }
0x104: {  	[sflag:s29] =	ssyncset.done $0x0  }
0x105: {  	[sflag:s29] =	ssyncadd.s32 $0xFFFFD8F0  }
0x106: {  	_ =	swait.ge [sflag:s29], $0x2710  }
0x107: {  	[sflag:s29] =	ssyncset.done $0x0  }
0x108: {  	[sflag:s29] =	ssyncadd.s32 $0xFFFFD8F0  }
0x109: {  	[tilespmem:s30], [sflag:$0x1] =	stream.linear.gather [hbm4b:s9+s2], $0x2710, $0x38;
	[tilespmem:$0x16200] =	vst v63  }
0x10a: {  	s3 =	simm.s32 $0xFFFFFFFB;
	s4 =	simm.s32 $0xC420;
	s5 =	simm.s32 $0xEBA0  }
0x10b: {  	[tilespmem:s31], [sflag:$0x1] =	stream.linear.gather [hbm4b:s10+s2], $0x2710, $0x38;
	[tilespmem:$0x16200] =	vst v63  }
.LBB2_9:
0x10c: {  	v1 =	vld [tilespmem:s4+$0xFFFFFFE0];
	_ =	sdelay $0x2  }
0x10d: {  	v2 =	vld [tilespmem:s5+$0xFFFFFFE0];
	_ =	sdelay $0x4  }
0x10e: {  	[tilespmem:v1+s2+$0x0] =	vst.idx.add.f32.msk $0xffff, v2  }
0x10f: {  	v1 =	vld [tilespmem:s4+$0xFFFFFFF0];
	_ =	sdelay $0x2  }
0x110: {  	v2 =	vld [tilespmem:s5+$0xFFFFFFF0];
	_ =	sdelay $0x4  }
0x111: {  	[tilespmem:v1+s2+$0x0] =	vst.idx.add.f32.msk $0xffff, v2  }
0x112: {  	v1 =	vld [tilespmem:s4+$0x0];
	_ =	sdelay $0x2  }
0x113: {  	v2 =	vld [tilespmem:s5+$0x0];
	_ =	sdelay $0x4  }
0x114: {  	[tilespmem:v1+s2+$0x0] =	vst.idx.add.f32.msk $0xffff, v2  }
0x115: {  	v1 =	vld [tilespmem:s4+$0x10];
	_ =	sdelay $0x2  }
0x116: {  	v2 =	vld [tilespmem:s5+$0x10];
	_ =	sdelay $0x4  }
0x117: {  	[tilespmem:v1+s2+$0x0] =	vst.idx.add.f32.msk $0xffff, v2  }
0x118: {  	v1 =	vld [tilespmem:s4+$0x20];
	_ =	sdelay $0x1  }
0x119: {  	s3 =	sadd.s32 $0x5, s3  }
0x11a: {  	p1 =	slt.u32 s3, $0x26C;
	v2 =	vld [tilespmem:s5+$0x20]  }
.Ltmp13:
0x11b: {  	_ = 	snop;
	(pc) =	sbr.rel @p1 .LBB2_9-.Ltmp13, $2  }
0x11c: {  	_ =	sdelay $0x2  }
0x11d: {  	s4 =	sadd.s32 $0x50, s4;
	s5 =	sadd.s32 $0x50, s5;
	[tilespmem:v1+s2+$0x0] =	vst.idx.add.f32.msk $0xffff, v2  }
0x11e: {  	_ =	swait.ge [sflag:s29], $0x2710  }
0x11f: {  	[sflag:s29] =	ssyncset.done $0x0  }
0x120: {  	[sflag:s29] =	ssyncadd.s32 $0xFFFFD8F0  }
0x121: {  	_ =	swait.ge [sflag:s29], $0x2710  }
0x122: {  	[sflag:s29] =	ssyncset.done $0x0  }
0x123: {  	[sflag:s29] =	ssyncadd.s32 $0xFFFFD8F0  }
0x124: {  	[tilespmem:s26], [sflag:$0x1] =	stream.linear.gather [hbm4b:s11+s2], $0x2710, $0x38;
	[tilespmem:$0x16200] =	vst v63  }
0x125: {  	s3 =	simm.s32 $0xFFFFFFFB;
	s4 =	simm.s32 $0x11320;
	s5 =	simm.s32 $0x13AA0  }
0x126: {  	[tilespmem:s28], [sflag:$0x1] =	stream.linear.gather [hbm4b:s12+s2], $0x2710, $0x38;
	[tilespmem:$0x16200] =	vst v63  }
.LBB2_11:
0x127: {  	v1 =	vld [tilespmem:s4+$0xFFFFFFE0];
	_ =	sdelay $0x2  }
0x128: {  	v2 =	vld [tilespmem:s5+$0xFFFFFFE0];
	_ =	sdelay $0x4  }
0x129: {  	[tilespmem:v1+s2+$0x0] =	vst.idx.add.f32.msk $0xffff, v2  }
0x12a: {  	v1 =	vld [tilespmem:s4+$0xFFFFFFF0];
	_ =	sdelay $0x2  }
0x12b: {  	v2 =	vld [tilespmem:s5+$0xFFFFFFF0];
	_ =	sdelay $0x4  }
0x12c: {  	[tilespmem:v1+s2+$0x0] =	vst.idx.add.f32.msk $0xffff, v2  }
0x12d: {  	v1 =	vld [tilespmem:s4+$0x0];
	_ =	sdelay $0x2  }
0x12e: {  	v2 =	vld [tilespmem:s5+$0x0];
	_ =	sdelay $0x4  }
0x12f: {  	[tilespmem:v1+s2+$0x0] =	vst.idx.add.f32.msk $0xffff, v2  }
0x130: {  	v1 =	vld [tilespmem:s4+$0x10];
	_ =	sdelay $0x2  }
0x131: {  	v2 =	vld [tilespmem:s5+$0x10];
	_ =	sdelay $0x4  }
0x132: {  	[tilespmem:v1+s2+$0x0] =	vst.idx.add.f32.msk $0xffff, v2  }
0x133: {  	v1 =	vld [tilespmem:s4+$0x20];
	_ =	sdelay $0x1  }
0x134: {  	s3 =	sadd.s32 $0x5, s3  }
0x135: {  	p1 =	slt.u32 s3, $0x26C;
	v2 =	vld [tilespmem:s5+$0x20]  }
.Ltmp14:
0x136: {  	_ = 	snop;
	(pc) =	sbr.rel @p1 .LBB2_11-.Ltmp14, $2  }
0x137: {  	_ =	sdelay $0x2  }
0x138: {  	s4 =	sadd.s32 $0x50, s4;
	s5 =	sadd.s32 $0x50, s5;
	[tilespmem:v1+s2+$0x0] =	vst.idx.add.f32.msk $0xffff, v2  }
0x139: {  	_ =	swait.ge [sflag:s29], $0x2710  }
0x13a: {  	[sflag:s29] =	ssyncset.done $0x0  }
0x13b: {  	[sflag:s29] =	ssyncadd.s32 $0xFFFFD8F0  }
0x13c: {  	_ =	swait.ge [sflag:s29], $0x2710  }
0x13d: {  	s3 =	simm.s32 $0xFFFFFFFB;
	[sflag:s29] =	ssyncset.done $0x0  }
0x13e: {  	s4 =	simm.s32 $0xC420;
	s5 =	simm.s32 $0xEBA0;
	[sflag:s29] =	ssyncadd.s32 $0xFFFFD8F0  }
.LBB2_13:
0x13f: {  	v1 =	vld [tilespmem:s4+$0xFFFFFFE0];
	_ =	sdelay $0x2  }
0x140: {  	v2 =	vld [tilespmem:s5+$0xFFFFFFE0];
	_ =	sdelay $0x4  }
0x141: {  	[tilespmem:v1+s2+$0x0] =	vst.idx.add.f32.msk $0xffff, v2  }
0x142: {  	v1 =	vld [tilespmem:s4+$0xFFFFFFF0];
	_ =	sdelay $0x2  }
0x143: {  	v2 =	vld [tilespmem:s5+$0xFFFFFFF0];
	_ =	sdelay $0x4  }
0x144: {  	[tilespmem:v1+s2+$0x0] =	vst.idx.add.f32.msk $0xffff, v2  }
0x145: {  	v1 =	vld [tilespmem:s4+$0x0];
	_ =	sdelay $0x2  }
0x146: {  	v2 =	vld [tilespmem:s5+$0x0];
	_ =	sdelay $0x4  }
0x147: {  	[tilespmem:v1+s2+$0x0] =	vst.idx.add.f32.msk $0xffff, v2  }
0x148: {  	v1 =	vld [tilespmem:s4+$0x10];
	_ =	sdelay $0x2  }
0x149: {  	v2 =	vld [tilespmem:s5+$0x10];
	_ =	sdelay $0x4  }
0x14a: {  	[tilespmem:v1+s2+$0x0] =	vst.idx.add.f32.msk $0xffff, v2  }
0x14b: {  	v1 =	vld [tilespmem:s4+$0x20];
	_ =	sdelay $0x1  }
0x14c: {  	s3 =	sadd.s32 $0x5, s3  }
0x14d: {  	p1 =	slt.u32 s3, $0x26C;
	v2 =	vld [tilespmem:s5+$0x20]  }
.Ltmp15:
0x14e: {  	_ = 	snop;
	(pc) =	sbr.rel @p1 .LBB2_13-.Ltmp15, $2  }
0x14f: {  	_ =	sdelay $0x2  }
0x150: {  	s4 =	sadd.s32 $0x50, s4;
	s5 =	sadd.s32 $0x50, s5;
	[tilespmem:v1+s2+$0x0] =	vst.idx.add.f32.msk $0xffff, v2  }
.Ltmp16:
0x151: {  	(pc) =	sbr.rel .LBB2_28-.Ltmp16, $2  }
0x152: {  	_ =	sdelay $0x2  }
0x153: {  	s3 =	smov.u32 s13  }
.LBB2_29:
0x154: {  	_ =	sfence.sel $0x180000  }
0x155: {  	[bflag:$0x0] =	sbarrier.arrive $0xFFFF  }
0x156: {  	_ =	strace $0x90000047  }
0x157: {  	s0 =	stileid.u32;
	[bflag:$0x2] =	sbarrier.arrive $0xFFFF  }
0x158: {  	p0 =	sne.s32 s0, $0x0;
	s0 =	rddreg [dreg:$0x4]  }
0x159: {  	s0 =	sadd.s32 @!p0 $0x100000, s0  }
0x15a: {  	[sflag:s0] =	ssyncadd.tile.s32 @!p0 $0x1;
	_ =	shalt  }
.Lfunc_end2:
_tile_overlayer_lowered:
.L_overlay_start_2:
0x15b: {  	(tag) =	ssettag $0x2  }
0x15c: {  	s0 =	rddreg [dreg:$0x0];
	s2 =	stileid.u32  }
0x15d: {  	s1 =	rddreg [dreg:$0x1];
	p0 =	sne.s32 s2, $0x0  }
0x15e: {  	s3 =	rddreg [dreg:$0x2];
	[bflag:$0x3] =	sbarrier.arrive $0xFFFF;
	s2 =	simm.s32 @!p0 $0x1C02  }
0x15f: {  	[timem:s3], [sflag:s2] =	dma.local @!p0 [hbm:s0], s1  }
0x160: {  	s0 =	simm.s32 @!p0 $0x2  }
0x161: {  	_ =	swait.ge @!p0 [sflag:s0], s1  }
0x162: {  	s1 =	ssub.s32 @!p0 $0x0, s1;
	[sflag:s0] =	ssyncset.done @!p0 $0x0  }
0x163: {  	[sflag:s0] =	ssyncadd.s32 @!p0 s1  }
0x164: {  	[bflag:$0x3] =	sbarrier.arrive $0xFFFF  }
0x165: {  	_ =	shalt  }

</sc_bundles>
